<compile_context>
chip_gen: v7x
topology: tpu7x:2x2x1
jax: 0.10.2.dev20260603
libtpu: 0.0.44.dev20260713+nightly
codegen_flags: <defaults>
</compile_context>

<pallas_src>
import jax
import jax.numpy as jnp
from jax.experimental import pallas as pl
from jax.experimental.pallas import tpu as pltpu
from jax.experimental.pallas import tpu_sc as plsc

_C = 128
_BITS = 32
_ITERS = 10
_K = 32
_BL = 2048
_NW = 32
_CHUNK = 768


def _cluster_body(q_ref, pw_ref, pb_ref, sel0_ref, assign_ref, qg_ref):
    q = q_ref[0]
    pw = pw_ref[...]
    pb = pb_ref[...]
    L = q.shape[0]
    proj = jnp.dot(q, pw, preferred_element_type=jnp.float32) + pb
    bits = (proj > 0).astype(jnp.float32)
    x2 = jnp.sum(bits, axis=1)
    cent0 = jnp.dot(sel0_ref[...], bits, preferred_element_type=jnp.float32)

    iota_lc = jax.lax.broadcasted_iota(jnp.int32, (L, _C), 1)
    iota_cl = jax.lax.broadcasted_iota(jnp.int32, (_C, L), 0)
    ones_l = jnp.ones((L, 1), jnp.float32)

    def assign_fn(cent):
        c2 = jnp.sum(cent * cent, axis=1)
        d = (x2[:, None] + c2[None, :]) - 2.0 * jax.lax.dot_general(
            bits, cent, (((1,), (1,)), ((), ())),
            preferred_element_type=jnp.float32)
        m = jnp.min(d, axis=1)
        return jnp.min(jnp.where(d == m[:, None], iota_lc, _C), axis=1)

    def step(_, cent):
        a = assign_fn(cent)
        ohT = (iota_cl == a[None, :]).astype(jnp.float32)
        cnt = jnp.dot(ohT, ones_l, preferred_element_type=jnp.float32)
        sums = jnp.dot(ohT, bits, preferred_element_type=jnp.float32)
        newc = sums / jnp.maximum(cnt, 1.0)
        return jnp.where(cnt > 0, newc, cent)

    cent = jax.lax.fori_loop(0, _ITERS, step, cent0)
    a = assign_fn(cent)
    ohT = (iota_cl == a[None, :]).astype(jnp.float32)
    cnt = jnp.dot(ohT, ones_l, preferred_element_type=jnp.float32)
    qsum = jnp.dot(ohT, q, preferred_element_type=jnp.float32)
    assign_ref[0, 0, :] = a.astype(jnp.float32)
    qg_ref[0] = qsum / jnp.maximum(cnt, 1.0)


def _topk_body(qg_ref, k_ref, v_ref, tidx_ref, abk_ref, vbot_ref):
    qg = qg_ref[0]
    k = k_ref[0]
    v = v_ref[0]
    S = k.shape[0]
    QK = jax.lax.dot_general(qg, k, (((1,), (1,)), ((), ())),
                             preferred_element_type=jnp.float32)
    iota_cs = jax.lax.broadcasted_iota(jnp.int32, (_C, S), 1)
    neginf = jnp.float32(-jnp.inf)
    h = pl.program_id(0)

    def sel_step(i, QKm):
        m = jnp.max(QKm, axis=1)
        idx = jnp.min(jnp.where(QKm == m[:, None], iota_cs, S), axis=1)
        tidx_ref[0, pl.ds(i, 1), :] = (idx + h * S)[None, :]
        return jnp.where(iota_cs == idx[:, None], neginf, QKm)

    QKm = jax.lax.fori_loop(0, _K, sel_step, QK)

    sQK = 0.125 * QK
    mx = jnp.max(sQK, axis=1)
    e = jnp.exp(sQK - mx[:, None])
    A = e / jnp.sum(e, axis=1)[:, None]
    A_bot = jnp.where(QKm == neginf, 0.0, A)
    abk_ref[0, 0, :] = jnp.sum(A_bot, axis=1)
    vbot_ref[0] = jnp.dot(A_bot, v, preferred_element_type=jnp.float32)


def _sc_gather_body(kvt_ref, idx_ref, kvc_ref, idx_v, rows_v, sem):
    wid = jax.lax.axis_index("s") * 2 + jax.lax.axis_index("c")
    rows = kvc_ref.shape[0]
    rpw = rows // _NW
    base = wid * rpw
    for j in range(rpw // _CHUNK):
        off = base + j * _CHUNK
        pltpu.sync_copy(idx_ref.at[pl.ds(off, _CHUNK)], idx_v)
        pltpu.async_copy(kvt_ref.at[idx_v], rows_v, sem).wait()
        pltpu.sync_copy(rows_v, kvc_ref.at[pl.ds(off, _CHUNK)])


def _query_body(q_ref, a_ref, kc_ref, vc_ref, abk_ref, vbot_ref, o_ref):
    q = q_ref[0]
    a = a_ref[0, 0, :]
    kc = kc_ref[0]
    vc = vc_ref[0]
    abk = abk_ref[0, 0, :]
    vbot = vbot_ref[0]
    E = q.shape[1]
    D = vbot.shape[1]
    KE = _K * E
    iota_c = jax.lax.broadcasted_iota(jnp.int32, (_BL, _C), 1).astype(jnp.float32)
    oh = (a[:, None] == iota_c).astype(jnp.float32)
    iota_e = jax.lax.broadcasted_iota(jnp.int32, (E, KE), 0)
    iota_j1 = jax.lax.broadcasted_iota(jnp.int32, (E, KE), 1)
    T = (iota_j1 % E == iota_e).astype(jnp.float32)
    iota_j2 = jax.lax.broadcasted_iota(jnp.int32, (KE, _K), 0)
    iota_k = jax.lax.broadcasted_iota(jnp.int32, (KE, _K), 1)
    G = (iota_j2 // E == iota_k).astype(jnp.float32)

    Kq = jnp.dot(oh, kc, preferred_element_type=jnp.float32)
    qt = jnp.dot(q, T, preferred_element_type=jnp.float32)
    ls = jnp.dot(Kq * qt, G, preferred_element_type=jnp.float32)
    sls = 0.125 * ls
    mx = jnp.max(sls, axis=1)
    e = jnp.exp(sls - mx[:, None])
    At = e / jnp.sum(e, axis=1)[:, None]
    abk_q = jnp.sum(oh * abk[None, :], axis=1)
    At = At * (1.0 - abk_q)[:, None]
    Vq = jnp.dot(oh, vc, preferred_element_type=jnp.float32)
    Att = jax.lax.dot_general(At, G, (((1,), (1,)), ((), ())),
                              preferred_element_type=jnp.float32)
    vt = jax.lax.dot_general(Vq * Att, T, (((1,), (1,)), ((), ())),
                             preferred_element_type=jnp.float32)
    vb = jnp.dot(oh, vbot, preferred_element_type=jnp.float32)
    o_ref[0] = vt + vb


def kernel(queries, keys, values, planes):
    _, L, H, E = queries.shape
    S = keys.shape[1]
    D = values.shape[3]
    q = jnp.transpose(queries, (0, 2, 1, 3))[0]
    k = jnp.transpose(keys, (0, 2, 1, 3))[0]
    v = jnp.transpose(values, (0, 2, 1, 3))[0]
    pw = planes[:, :-1].T
    pb = planes[:, -1][None, :]
    init_idx = jnp.linspace(0, L - 1, _C).astype(jnp.int32)
    sel0 = (init_idx[:, None] == jnp.arange(L)[None, :]).astype(jnp.float32)

    assign, qg = pl.pallas_call(
        _cluster_body,
        grid=(H,),
        in_specs=[
            pl.BlockSpec((1, L, E), lambda h: (h, 0, 0)),
            pl.BlockSpec((E, _BITS), lambda h: (0, 0)),
            pl.BlockSpec((1, _BITS), lambda h: (0, 0)),
            pl.BlockSpec((_C, L), lambda h: (0, 0)),
        ],
        out_specs=[
            pl.BlockSpec((1, 1, L), lambda h: (h, 0, 0)),
            pl.BlockSpec((1, _C, E), lambda h: (h, 0, 0)),
        ],
        out_shape=[
            jax.ShapeDtypeStruct((H, 1, L), jnp.float32),
            jax.ShapeDtypeStruct((H, _C, E), jnp.float32),
        ],
        compiler_params=pltpu.CompilerParams(
            dimension_semantics=("arbitrary",)),
    )(q, pw, pb, sel0)

    tidx, abk, vbotc = pl.pallas_call(
        _topk_body,
        grid=(H,),
        in_specs=[
            pl.BlockSpec((1, _C, E), lambda h: (h, 0, 0)),
            pl.BlockSpec((1, S, E), lambda h: (h, 0, 0)),
            pl.BlockSpec((1, S, D), lambda h: (h, 0, 0)),
        ],
        out_specs=[
            pl.BlockSpec((1, _K, _C), lambda h: (h, 0, 0)),
            pl.BlockSpec((1, 1, _C), lambda h: (h, 0, 0)),
            pl.BlockSpec((1, _C, D), lambda h: (h, 0, 0)),
        ],
        out_shape=[
            jax.ShapeDtypeStruct((H, _K, _C), jnp.int32),
            jax.ShapeDtypeStruct((H, 1, _C), jnp.float32),
            jax.ShapeDtypeStruct((H, _C, D), jnp.float32),
        ],
        compiler_params=pltpu.CompilerParams(
            dimension_semantics=("arbitrary",)),
    )(qg, k, v)

    rows = H * _K * _C
    kv_table = jnp.concatenate([k, v], axis=-1).reshape(H * S, E + D)
    kvc_flat = pl.kernel(
        _sc_gather_body,
        mesh=plsc.VectorSubcoreMesh(core_axis_name="c", subcore_axis_name="s"),
        out_type=jax.ShapeDtypeStruct((rows, E + D), jnp.float32),
        scratch_types=[
            pltpu.VMEM((_CHUNK,), jnp.int32),
            pltpu.VMEM((_CHUNK, E + D), jnp.float32),
            pltpu.SemaphoreType.DMA,
        ],
    )(kv_table, jnp.transpose(tidx, (0, 2, 1)).reshape(rows))
    kvc = kvc_flat.reshape(H, _C, _K, E + D)
    kc = kvc[:, :, :, :E].reshape(H, _C, _K * E)
    vc = kvc[:, :, :, E:].reshape(H, _C, _K * D)

    out = pl.pallas_call(
        _query_body,
        grid=(H, L // _BL),
        in_specs=[
            pl.BlockSpec((1, _BL, E), lambda h, b: (h, b, 0)),
            pl.BlockSpec((1, 1, _BL), lambda h, b: (h, 0, b)),
            pl.BlockSpec((1, _C, _K * E), lambda h, b: (h, 0, 0)),
            pl.BlockSpec((1, _C, _K * D), lambda h, b: (h, 0, 0)),
            pl.BlockSpec((1, 1, _C), lambda h, b: (h, 0, 0)),
            pl.BlockSpec((1, _C, D), lambda h, b: (h, 0, 0)),
        ],
        out_specs=pl.BlockSpec((1, _BL, D), lambda h, b: (h, b, 0)),
        out_shape=jax.ShapeDtypeStruct((H, L, D), jnp.float32),
        compiler_params=pltpu.CompilerParams(
            dimension_semantics=("arbitrary", "arbitrary")),
    )(q, assign, kc, vc, abk, vbotc)

    return jnp.transpose(out, (1, 0, 2))[None]

# --- scband reference (transcript-rebuilt; emitter-appended) ---
"""Pipeline reference for scband-my-improved-clustered-attention-13211319403254 (READ-ONLY COPY).

The authoritative reference and input builder live on the scoring server;
editing this copy changes nothing except your own understanding.
"""

import jax, jax.numpy as jnp
import numpy as np

N, L, S, H, E, D = 1, 2048, 2048, 12, 64, 64
C, BITS, ITERS, TOPK = 128, 32, 10, 32


def setup_inputs(seed: int = 0):
    key = jax.random.key(seed)
    k1, k2, k3, k4 = jax.random.split(key, 4)
    queries = jax.random.normal(k1, (N, L, H, E), dtype=jnp.float32)
    keys = jax.random.normal(k2, (N, S, H, E), dtype=jnp.float32)
    values = jax.random.normal(k3, (N, S, H, D), dtype=jnp.float32)
    planes = jax.random.normal(k4, (BITS, E + 1), dtype=jnp.float32)
    return {'queries': queries, 'keys': keys, 'values': values, 'planes': planes}


def _compute_bits(q, planes):
    # q: [N,H,L,E]; planes: [BITS, E+1], last column is bias (hash_bias=True)
    proj = jnp.einsum('nhle,be->nhlb', q, planes[:, :-1]) + planes[:, -1]
    return (proj > 0).astype(jnp.float32)


def _cluster(bits, clusters, iterations):
    # Lloyd iterations; hamming distance == squared euclidean on binary codes
    nb, hb, lb, b = bits.shape
    init_idx = jnp.linspace(0, lb - 1, clusters).astype(jnp.int32)
    cent0 = bits[:, :, init_idx, :]
    x2 = (bits * bits).sum(-1)

    def assign_fn(cent):
        c2 = (cent * cent).sum(-1)
        dist = x2[..., None] + c2[:, :, None, :] - 2.0 * jnp.einsum('nhlb,nhcb->nhlc', bits, cent)
        return jnp.argmin(dist, axis=-1)

    def step(cent, _):
        a = assign_fn(cent)
        oh = jax.nn.one_hot(a, clusters, dtype=jnp.float32)
        cnt = oh.sum(2)
        sums = jnp.einsum('nhlc,nhlb->nhcb', oh, bits)
        new = sums / jnp.maximum(cnt, 1.0)[..., None]
        cent = jnp.where((cnt > 0)[..., None], new, cent)
        return cent, None

    cent, _ = jax.lax.scan(step, cent0, None, length=iterations)
    a = assign_fn(cent)
    cnt = jax.nn.one_hot(a, clusters, dtype=jnp.float32).sum(2)
    return a, cnt


def reference(queries, keys, values, planes):
    # permute to [N, H, L, E] like the torch module
    q = jnp.transpose(queries, (0, 2, 1, 3))
    k = jnp.transpose(keys, (0, 2, 1, 3))
    v = jnp.transpose(values, (0, 2, 1, 3))
    n, h, l, e = q.shape
    s = k.shape[2]
    d = v.shape[3]
    temp = 1.0 / jnp.sqrt(jnp.float32(e))

    bits = _compute_bits(q, planes)
    assign, counts = _cluster(bits, C, ITERS)  # assign [N,H,L], counts [N,H,C]

    # grouped (centroid) queries: mean of member queries per cluster
    oh = jax.nn.one_hot(assign, C, dtype=q.dtype)
    q_grouped = jnp.einsum('nhlc,nhle->nhce', oh, q) / jnp.maximum(counts, 1.0)[..., None]

    # centroid attention logits over all keys (full key lengths -> no additive mask)
    QK = jnp.einsum('nhce,nhse->nhcs', q_grouped, k)
    topk_values, topk = jax.lax.top_k(QK, TOPK)  # [N,H,C,K]

    # bottom-k attention: softmax over all keys with top-k positions zeroed
    A_full = jax.nn.softmax(temp * QK, axis=-1)
    ni = jnp.arange(n)[:, None, None, None]
    hi = jnp.arange(h)[None, :, None, None]
    ci = jnp.arange(C)[None, None, :, None]
    mask = jnp.ones_like(A_full).at[ni, hi, ci, topk].set(0.0)
    A_bot = A_full * mask
    A_bottomk = A_bot.sum(-1)  # [N,H,C]
    V_bot_c = jnp.einsum('nhcs,nhsd->nhcd', A_bot, v)
    # broadcast bottom-k values back to each query position
    V_bottom = jnp.take_along_axis(V_bot_c, assign[..., None], axis=2)  # [N,H,L,D]

    # top-k attention: exact per-query dot products with the cluster's top-k keys
    t_idx = jnp.take_along_axis(topk, assign[..., None], axis=2)          # [N,H,L,K]
    t_val = jnp.take_along_axis(topk_values, assign[..., None], axis=2)   # [N,H,L,K]
    kf = k.reshape(n * h, s, e)
    vf = v.reshape(n * h, s, d)
    tf = t_idx.reshape(n * h, l * TOPK)
    Kg = jax.vmap(lambda kb, ib: kb[ib])(kf, tf).reshape(n, h, l, TOPK, e)
    Vg = jax.vmap(lambda vb, ib: vb[ib])(vf, tf).reshape(n, h, l, TOPK, d)
    QKt = jnp.einsum('nhle,nhlke->nhlk', q, Kg)
    QKt = jnp.where(jnp.isinf(t_val), -jnp.inf, QKt)
    A_top = jax.nn.softmax(temp * QKt, axis=-1)
    A_bk_q = jnp.take_along_axis(A_bottomk, assign, axis=2)  # [N,H,L]
    A_top = A_top * (1.0 - A_bk_q)[..., None]
    V_top = jnp.einsum('nhlk,nhlkd->nhld', A_top, Vg)

    V_new = V_top + V_bottom
    return jnp.transpose(V_new, (0, 2, 1, 3))  # [N, L, H, D]

if __name__ == "__main__":
    import jax
    _d = setup_inputs()
    print(jax.jit(kernel)(*tuple(_d.values())))

</pallas_src>

<mosaic_0001>
#map = affine_map<(d0, d1) -> (0, 0)>
#map1 = affine_map<(d0, d1) -> (0)>
module attributes {stable_mosaic.version = 14 : i64} {
  func.func @_sc_gather_body(%arg0: i32, %arg1: i32, %arg2: memref<24576x128xf32, #tpu.memory_space<hbm>>, %arg3: memref<49152xi32, #tpu.memory_space<hbm>>, %arg4: memref<49152x128xf32, #tpu.memory_space<hbm>>, %arg5: memref<768xi32, #tpu.memory_space<vmem>>, %arg6: memref<768x128xf32, #tpu.memory_space<vmem>>, %arg7: memref<!tpu.dma_semaphore, #tpu.memory_space<semaphore_mem>>) attributes {dimension_semantics = [#tpu.dimension_semantics<core_parallel>, #tpu.dimension_semantics<subcore_parallel>], iteration_bounds = array<i64: 2, 16>, scalar_prefetch = 0 : i64, scratch_operands = 3 : i64, tpu.core_type = #tpu.core_type<sc_vector_subcore>, window_params = [{transform_indices = #map}, {transform_indices = #map1}, {transform_indices = #map}]} {
    %mul3A = arith.constant 2 : i32
    %mul3A_0 = arith.muli %arg1, %mul3A : i32
    %add3A = arith.addi %mul3A_0, %arg0 : i32
    %mul3A_1 = arith.constant 1536 : i32
    %mul3A_2 = arith.muli %add3A, %mul3A_1 : i32
    %add3A_3 = arith.constant 0 : i32
    %add3A_4 = arith.addi %mul3A_2, %add3A_3 : i32
    "tpu.region"() ({
      %run_scoped3A = tpu.sem_alloc : memref<!tpu.dma_semaphore, #tpu.memory_space<semaphore_mem>>
      %dma_start3A_17 = tpu.memref_slice %arg3[%add3A_4] : memref<49152xi32, #tpu.memory_space<hbm>> -> memref<768xi32, #tpu.memory_space<hbm>>
      %dma_start3A_18 = tpu.memref_slice %arg3[%add3A_4] : memref<49152xi32, #tpu.memory_space<hbm>> -> memref<768xi32, #tpu.memory_space<hbm>>
      tpu.enqueue_dma source(%dma_start3A_18 : memref<768xi32, #tpu.memory_space<hbm>>) target(%arg5 : memref<768xi32, #tpu.memory_space<vmem>>) target_semaphore(%run_scoped3A : memref<!tpu.dma_semaphore, #tpu.memory_space<semaphore_mem>>)
      %dma_wait3A_19 = tpu.memref_slice %arg3[%add3A_4] : memref<49152xi32, #tpu.memory_space<hbm>> -> memref<768xi32, #tpu.memory_space<hbm>>
      %dma_wait3A_20 = tpu.memref_slice %arg3[%add3A_4] : memref<49152xi32, #tpu.memory_space<hbm>> -> memref<768xi32, #tpu.memory_space<hbm>>
      tpu.wait_dma2 semaphore(%run_scoped3A : memref<!tpu.dma_semaphore, #tpu.memory_space<semaphore_mem>>) src(%dma_wait3A_20 : memref<768xi32, #tpu.memory_space<hbm>>) dst(%arg5 : memref<768xi32, #tpu.memory_space<vmem>>)
      tpu.yield
    }) : () -> ()
    %dma_start3A = arith.constant 0 : i32
    %dma_start3A_5 = arith.constant 0 : i32
    %dma_start3A_6 = tpu.memref_slice %arg2[%dma_start3A, %dma_start3A_5] : memref<24576x128xf32, #tpu.memory_space<hbm>> -> memref<24576x128xf32, #tpu.memory_space<hbm>>
    tpu.enqueue_indirect_dma source(%dma_start3A_6 : memref<24576x128xf32, #tpu.memory_space<hbm>>) target(%arg6 : memref<768x128xf32, #tpu.memory_space<vmem>>) offsets(%arg5 : memref<768xi32, #tpu.memory_space<vmem>>) semaphore(%arg7 : memref<!tpu.dma_semaphore, #tpu.memory_space<semaphore_mem>>)
    %dma_wait3A = arith.constant 0 : i32
    %dma_wait3A_7 = arith.constant 0 : i32
    %dma_wait3A_8 = tpu.memref_slice %arg2[%dma_wait3A, %dma_wait3A_7] : memref<24576x128xf32, #tpu.memory_space<hbm>> -> memref<24576x128xf32, #tpu.memory_space<hbm>>
    tpu.wait_indirect_dma semaphore(%arg7 : memref<!tpu.dma_semaphore, #tpu.memory_space<semaphore_mem>>) src(%dma_wait3A_8 : memref<24576x128xf32, #tpu.memory_space<hbm>>) dst(%arg6 : memref<768x128xf32, #tpu.memory_space<vmem>>)
    "tpu.region"() ({
      %run_scoped3A = tpu.sem_alloc : memref<!tpu.dma_semaphore, #tpu.memory_space<semaphore_mem>>
      %dma_start3A_17 = arith.constant 0 : i32
      %dma_start3A_18 = tpu.memref_slice %arg4[%add3A_4, %dma_start3A_17] : memref<49152x128xf32, #tpu.memory_space<hbm>> -> memref<768x128xf32, #tpu.memory_space<hbm>>
      %dma_start3A_19 = arith.constant 0 : i32
      %dma_start3A_20 = tpu.memref_slice %arg4[%add3A_4, %dma_start3A_19] : memref<49152x128xf32, #tpu.memory_space<hbm>> -> memref<768x128xf32, #tpu.memory_space<hbm>>
      tpu.enqueue_dma source(%arg6 : memref<768x128xf32, #tpu.memory_space<vmem>>) target(%dma_start3A_20 : memref<768x128xf32, #tpu.memory_space<hbm>>) target_semaphore(%run_scoped3A : memref<!tpu.dma_semaphore, #tpu.memory_space<semaphore_mem>>)
      %dma_wait3A_21 = arith.constant 0 : i32
      %dma_wait3A_22 = tpu.memref_slice %arg4[%add3A_4, %dma_wait3A_21] : memref<49152x128xf32, #tpu.memory_space<hbm>> -> memref<768x128xf32, #tpu.memory_space<hbm>>
      %dma_wait3A_23 = arith.constant 0 : i32
      %dma_wait3A_24 = tpu.memref_slice %arg4[%add3A_4, %dma_wait3A_23] : memref<49152x128xf32, #tpu.memory_space<hbm>> -> memref<768x128xf32, #tpu.memory_space<hbm>>
      tpu.wait_dma2 semaphore(%run_scoped3A : memref<!tpu.dma_semaphore, #tpu.memory_space<semaphore_mem>>) src(%arg6 : memref<768x128xf32, #tpu.memory_space<vmem>>) dst(%dma_wait3A_24 : memref<768x128xf32, #tpu.memory_space<hbm>>)
      tpu.yield
    }) : () -> ()
    %add3A_9 = arith.constant 768 : i32
    %add3A_10 = arith.addi %mul3A_2, %add3A_9 : i32
    "tpu.region"() ({
      %run_scoped3A = tpu.sem_alloc : memref<!tpu.dma_semaphore, #tpu.memory_space<semaphore_mem>>
      %dma_start3A_17 = tpu.memref_slice %arg3[%add3A_10] : memref<49152xi32, #tpu.memory_space<hbm>> -> memref<768xi32, #tpu.memory_space<hbm>>
      %dma_start3A_18 = tpu.memref_slice %arg3[%add3A_10] : memref<49152xi32, #tpu.memory_space<hbm>> -> memref<768xi32, #tpu.memory_space<hbm>>
      tpu.enqueue_dma source(%dma_start3A_18 : memref<768xi32, #tpu.memory_space<hbm>>) target(%arg5 : memref<768xi32, #tpu.memory_space<vmem>>) target_semaphore(%run_scoped3A : memref<!tpu.dma_semaphore, #tpu.memory_space<semaphore_mem>>)
      %dma_wait3A_19 = tpu.memref_slice %arg3[%add3A_10] : memref<49152xi32, #tpu.memory_space<hbm>> -> memref<768xi32, #tpu.memory_space<hbm>>
      %dma_wait3A_20 = tpu.memref_slice %arg3[%add3A_10] : memref<49152xi32, #tpu.memory_space<hbm>> -> memref<768xi32, #tpu.memory_space<hbm>>
      tpu.wait_dma2 semaphore(%run_scoped3A : memref<!tpu.dma_semaphore, #tpu.memory_space<semaphore_mem>>) src(%dma_wait3A_20 : memref<768xi32, #tpu.memory_space<hbm>>) dst(%arg5 : memref<768xi32, #tpu.memory_space<vmem>>)
      tpu.yield
    }) : () -> ()
    %dma_start3A_11 = arith.constant 0 : i32
    %dma_start3A_12 = arith.constant 0 : i32
    %dma_start3A_13 = tpu.memref_slice %arg2[%dma_start3A_11, %dma_start3A_12] : memref<24576x128xf32, #tpu.memory_space<hbm>> -> memref<24576x128xf32, #tpu.memory_space<hbm>>
    tpu.enqueue_indirect_dma source(%dma_start3A_13 : memref<24576x128xf32, #tpu.memory_space<hbm>>) target(%arg6 : memref<768x128xf32, #tpu.memory_space<vmem>>) offsets(%arg5 : memref<768xi32, #tpu.memory_space<vmem>>) semaphore(%arg7 : memref<!tpu.dma_semaphore, #tpu.memory_space<semaphore_mem>>)
    %dma_wait3A_14 = arith.constant 0 : i32
    %dma_wait3A_15 = arith.constant 0 : i32
    %dma_wait3A_16 = tpu.memref_slice %arg2[%dma_wait3A_14, %dma_wait3A_15] : memref<24576x128xf32, #tpu.memory_space<hbm>> -> memref<24576x128xf32, #tpu.memory_space<hbm>>
    tpu.wait_indirect_dma semaphore(%arg7 : memref<!tpu.dma_semaphore, #tpu.memory_space<semaphore_mem>>) src(%dma_wait3A_16 : memref<24576x128xf32, #tpu.memory_space<hbm>>) dst(%arg6 : memref<768x128xf32, #tpu.memory_space<vmem>>)
    "tpu.region"() ({
      %run_scoped3A = tpu.sem_alloc : memref<!tpu.dma_semaphore, #tpu.memory_space<semaphore_mem>>
      %dma_start3A_17 = arith.constant 0 : i32
      %dma_start3A_18 = tpu.memref_slice %arg4[%add3A_10, %dma_start3A_17] : memref<49152x128xf32, #tpu.memory_space<hbm>> -> memref<768x128xf32, #tpu.memory_space<hbm>>
      %dma_start3A_19 = arith.constant 0 : i32
      %dma_start3A_20 = tpu.memref_slice %arg4[%add3A_10, %dma_start3A_19] : memref<49152x128xf32, #tpu.memory_space<hbm>> -> memref<768x128xf32, #tpu.memory_space<hbm>>
      tpu.enqueue_dma source(%arg6 : memref<768x128xf32, #tpu.memory_space<vmem>>) target(%dma_start3A_20 : memref<768x128xf32, #tpu.memory_space<hbm>>) target_semaphore(%run_scoped3A : memref<!tpu.dma_semaphore, #tpu.memory_space<semaphore_mem>>)
      %dma_wait3A_21 = arith.constant 0 : i32
      %dma_wait3A_22 = tpu.memref_slice %arg4[%add3A_10, %dma_wait3A_21] : memref<49152x128xf32, #tpu.memory_space<hbm>> -> memref<768x128xf32, #tpu.memory_space<hbm>>
      %dma_wait3A_23 = arith.constant 0 : i32
      %dma_wait3A_24 = tpu.memref_slice %arg4[%add3A_10, %dma_wait3A_23] : memref<49152x128xf32, #tpu.memory_space<hbm>> -> memref<768x128xf32, #tpu.memory_space<hbm>>
      tpu.wait_dma2 semaphore(%run_scoped3A : memref<!tpu.dma_semaphore, #tpu.memory_space<semaphore_mem>>) src(%arg6 : memref<768x128xf32, #tpu.memory_space<vmem>>) dst(%dma_wait3A_24 : memref<768x128xf32, #tpu.memory_space<hbm>>)
      tpu.yield
    }) : () -> ()
    return
  }
}

module attributes {stable_mosaic.version = 14 : i64} {
  func.func @_cluster_body(%arg0: i32, %arg1: memref<1x2048x64xf32, #tpu.memory_space<vmem>>, %arg2: memref<64x32xf32, #tpu.memory_space<vmem>>, %arg3: memref<1x32xf32, #tpu.memory_space<vmem>>, %arg4: memref<128x2048xf32, #tpu.memory_space<vmem>>, %arg5: memref<1x1x2048xf32, #tpu.memory_space<vmem>>, %arg6: memref<1x128x64xf32, #tpu.memory_space<vmem>>) attributes {dimension_semantics = [#tpu.dimension_semantics<arbitrary>], iteration_bounds = array<i64: 12>, scalar_prefetch = 0 : i64, scratch_operands = 0 : i64, tpu.core_type = #tpu.core_type<tc>, window_params = [{transform_indices = @transform_0, window_bounds = array<i64: 1, 2048, 64>}, {pipeline_mode = #tpu.pipeline_mode<synchronous>, transform_indices = @transform_1, window_bounds = array<i64: 64, 32>}, {pipeline_mode = #tpu.pipeline_mode<synchronous>, transform_indices = @transform_2, window_bounds = array<i64: 1, 32>}, {pipeline_mode = #tpu.pipeline_mode<synchronous>, transform_indices = @transform_3, window_bounds = array<i64: 128, 2048>}, {transform_indices = @transform_4, window_bounds = array<i64: 1, 1, 2048>}, {transform_indices = @transform_5, window_bounds = array<i64: 1, 128, 64>}]} {
    %get3A = arith.constant 0 : index
    %get3A_0 = arith.constant 0 : index
    %get3A_1 = arith.constant 0 : index
    %get3A_2 = vector.load %arg1[%get3A, %get3A_0, %get3A_1] : memref<1x2048x64xf32, #tpu.memory_space<vmem>>, vector<1x2048x64xf32>
    %get3A_3 = vector.shape_cast %get3A_2 : vector<1x2048x64xf32> to vector<2048x64xf32>
    %get3A_4 = arith.constant 0 : index
    %get3A_5 = arith.constant 0 : index
    %get3A_6 = vector.load %arg2[%get3A_4, %get3A_5] : memref<64x32xf32, #tpu.memory_space<vmem>>, vector<64x32xf32>
    %get3A_7 = arith.constant 0 : index
    %get3A_8 = arith.constant 0 : index
    %get3A_9 = vector.load %arg3[%get3A_7, %get3A_8] : memref<1x32xf32, #tpu.memory_space<vmem>>, vector<1x32xf32>
    %dot_general3A = arith.constant dense<0.000000e+00> : vector<2048x32xf32>
    %dot_general3A_10 = tpu.matmul %get3A_3, %get3A_6, %dot_general3A {dimension_numbers = #tpu.dot_dimension_numbers<[1], [0], [0], [1], [0, 0, 1, 1], [], []>, transpose_lhs_hint = false} : vector<2048x64xf32>, vector<64x32xf32>, vector<2048x32xf32> -> vector<2048x32xf32>
    %add3A = vector.broadcast %get3A_9 : vector<1x32xf32> to vector<2048x32xf32>
    %add3A_11 = arith.addf %dot_general3A_10, %add3A : vector<2048x32xf32>
    %gt3A = arith.constant 0.000000e+00 : f32
    %gt3A_12 = vector.broadcast %gt3A : f32 to vector<2048x32xf32>
    %gt3A_13 = arith.cmpf ogt, %add3A_11, %gt3A_12 : vector<2048x32xf32>
    %convert_element_type3A = arith.extui %gt3A_13 : vector<2048x32xi1> to vector<2048x32xi32>
    %convert_element_type3A_14 = arith.sitofp %convert_element_type3A : vector<2048x32xi32> to vector<2048x32xf32>
    %reduce_sum3A = arith.constant dense<0.000000e+00> : vector<2048xf32>
    %reduce_sum3A_15 = vector.multi_reduction <add>, %convert_element_type3A_14, %reduce_sum3A [1] : vector<2048x32xf32> to vector<2048xf32>
    %get3A_16 = arith.constant 0 : index
    %get3A_17 = arith.constant 0 : index
    %get3A_18 = vector.load %arg4[%get3A_16, %get3A_17] : memref<128x2048xf32, #tpu.memory_space<vmem>>, vector<128x2048xf32>
    %dot_general3A_19 = arith.constant dense<0.000000e+00> : vector<128x32xf32>
    %dot_general3A_20 = tpu.matmul %get3A_18, %convert_element_type3A_14, %dot_general3A_19 {dimension_numbers = #tpu.dot_dimension_numbers<[1], [0], [0], [1], [0, 0, 1, 1], [], []>, transpose_lhs_hint = false} : vector<128x2048xf32>, vector<2048x32xf32>, vector<128x32xf32> -> vector<128x32xf32>
    %iota3A = tpu.iota {dimensions = array<i32: 1>} : vector<2048x128xi32>
    %iota3A_21 = tpu.iota {dimensions = array<i32: 0>} : vector<128x2048xi32>
    %broadcast_in_dim3A = arith.constant 1.000000e+00 : f32
    %broadcast_in_dim3A_22 = vector.broadcast %broadcast_in_dim3A : f32 to vector<2048x1xf32>
    %scan3A = arith.constant 0 : i32
    %scan3A_23 = arith.constant 10 : i32
    %scan3A_24 = arith.addi %scan3A, %scan3A_23 : i32
    %scan3A_25 = arith.constant 1 : i32
    %scan3A_26 = scf.for %scan3A_69 = %scan3A to %scan3A_24 step %scan3A_25 iter_args(%scan3A_70 = %dot_general3A_20) -> (vector<128x32xf32>)  : i32 {
      %mul3A_71 = arith.mulf %scan3A_70, %scan3A_70 : vector<128x32xf32>
      %reduce_sum3A_72 = arith.constant dense<0.000000e+00> : vector<128xf32>
      %reduce_sum3A_73 = vector.multi_reduction <add>, %mul3A_71, %reduce_sum3A_72 [1] : vector<128x32xf32> to vector<128xf32>
      %broadcast_in_dim3A_74 = vector.shape_cast %reduce_sum3A_15 : vector<2048xf32> to vector<2048x1xf32>
      %broadcast_in_dim3A_75 = vector.shape_cast %reduce_sum3A_73 : vector<128xf32> to vector<1x128xf32>
      %add3A_76 = vector.broadcast %broadcast_in_dim3A_74 : vector<2048x1xf32> to vector<2048x128xf32>
      %add3A_77 = vector.broadcast %broadcast_in_dim3A_75 : vector<1x128xf32> to vector<2048x128xf32>
      %add3A_78 = arith.addf %add3A_76, %add3A_77 : vector<2048x128xf32>
      %dot_general3A_79 = arith.constant dense<0.000000e+00> : vector<2048x128xf32>
      %dot_general3A_80 = tpu.matmul %convert_element_type3A_14, %scan3A_70, %dot_general3A_79 {dimension_numbers = #tpu.dot_dimension_numbers<[1], [1], [0], [0], [0, 0, 1, 0], [], []>, transpose_lhs_hint = false} : vector<2048x32xf32>, vector<128x32xf32>, vector<2048x128xf32> -> vector<2048x128xf32>
      %mul3A_81 = arith.constant 2.000000e+00 : f32
      %mul3A_82 = vector.broadcast %mul3A_81 : f32 to vector<2048x128xf32>
      %mul3A_83 = arith.mulf %mul3A_82, %dot_general3A_80 : vector<2048x128xf32>
      %sub3A_84 = arith.subf %add3A_78, %mul3A_83 : vector<2048x128xf32>
      %reduce_min3A_85 = arith.constant dense<0x7F800000> : vector<2048xf32>
      %reduce_min3A_86 = vector.multi_reduction <minimumf>, %sub3A_84, %reduce_min3A_85 [1] : vector<2048x128xf32> to vector<2048xf32>
      %broadcast_in_dim3A_87 = vector.shape_cast %reduce_min3A_86 : vector<2048xf32> to vector<2048x1xf32>
      %eq3A_88 = vector.broadcast %broadcast_in_dim3A_87 : vector<2048x1xf32> to vector<2048x128xf32>
      %eq3A_89 = arith.cmpf oeq, %sub3A_84, %eq3A_88 : vector<2048x128xf32>
      %jit3A_90 = arith.constant 128 : i32
      %broadcast_in_dim3A_91 = vector.broadcast %jit3A_90 : i32 to vector<2048x128xi32>
      %select_n3A_92 = arith.select %eq3A_89, %iota3A, %broadcast_in_dim3A_91 : vector<2048x128xi1>, vector<2048x128xi32>
      %reduce_min3A_93 = arith.constant dense<2147483647> : vector<2048xi32>
      %reduce_min3A_94 = vector.multi_reduction <minsi>, %select_n3A_92, %reduce_min3A_93 [1] : vector<2048x128xi32> to vector<2048xi32>
      %broadcast_in_dim3A_95 = vector.shape_cast %reduce_min3A_94 : vector<2048xi32> to vector<1x2048xi32>
      %eq3A_96 = vector.broadcast %broadcast_in_dim3A_95 : vector<1x2048xi32> to vector<128x2048xi32>
      %eq3A_97 = arith.cmpi eq, %iota3A_21, %eq3A_96 : vector<128x2048xi32>
      %convert_element_type3A_98 = arith.extui %eq3A_97 : vector<128x2048xi1> to vector<128x2048xi32>
      %convert_element_type3A_99 = arith.sitofp %convert_element_type3A_98 : vector<128x2048xi32> to vector<128x2048xf32>
      %dot_general3A_100 = arith.constant dense<0.000000e+00> : vector<128x1xf32>
      %dot_general3A_101 = tpu.matmul %convert_element_type3A_99, %broadcast_in_dim3A_22, %dot_general3A_100 {dimension_numbers = #tpu.dot_dimension_numbers<[1], [0], [0], [1], [0, 0, 1, 1], [], []>, transpose_lhs_hint = false} : vector<128x2048xf32>, vector<2048x1xf32>, vector<128x1xf32> -> vector<128x1xf32>
      %dot_general3A_102 = arith.constant dense<0.000000e+00> : vector<128x32xf32>
      %dot_general3A_103 = tpu.matmul %convert_element_type3A_99, %convert_element_type3A_14, %dot_general3A_102 {dimension_numbers = #tpu.dot_dimension_numbers<[1], [0], [0], [1], [0, 0, 1, 1], [], []>, transpose_lhs_hint = false} : vector<128x2048xf32>, vector<2048x32xf32>, vector<128x32xf32> -> vector<128x32xf32>
      %max3A_104 = arith.constant 1.000000e+00 : f32
      %max3A_105 = vector.broadcast %max3A_104 : f32 to vector<128x1xf32>
      %max3A_106 = arith.maximumf %dot_general3A_101, %max3A_105 : vector<128x1xf32>
      %div3A_107 = vector.broadcast %max3A_106 : vector<128x1xf32> to vector<128x32xf32>
      %div3A_108 = arith.divf %dot_general3A_103, %div3A_107 : vector<128x32xf32>
      %gt3A_109 = arith.constant 0.000000e+00 : f32
      %gt3A_110 = vector.broadcast %gt3A_109 : f32 to vector<128x1xf32>
      %gt3A_111 = arith.cmpf ogt, %dot_general3A_101, %gt3A_110 : vector<128x1xf32>
      %broadcast_in_dim3A_112 = vector.shape_cast %gt3A_111 : vector<128x1xi1> to vector<128x1xi1>
      %broadcast_in_dim3A_113 = vector.broadcast %broadcast_in_dim3A_112 : vector<128x1xi1> to vector<128x32xi1>
      %select_n3A_114 = arith.select %broadcast_in_dim3A_113, %div3A_108, %scan3A_70 : vector<128x32xi1>, vector<128x32xf32>
      scf.yield %select_n3A_114 : vector<128x32xf32>
    }
    %mul3A = arith.mulf %scan3A_26, %scan3A_26 : vector<128x32xf32>
    %reduce_sum3A_27 = arith.constant dense<0.000000e+00> : vector<128xf32>
    %reduce_sum3A_28 = vector.multi_reduction <add>, %mul3A, %reduce_sum3A_27 [1] : vector<128x32xf32> to vector<128xf32>
    %broadcast_in_dim3A_29 = vector.shape_cast %reduce_sum3A_15 : vector<2048xf32> to vector<2048x1xf32>
    %broadcast_in_dim3A_30 = vector.shape_cast %reduce_sum3A_28 : vector<128xf32> to vector<1x128xf32>
    %add3A_31 = vector.broadcast %broadcast_in_dim3A_29 : vector<2048x1xf32> to vector<2048x128xf32>
    %add3A_32 = vector.broadcast %broadcast_in_dim3A_30 : vector<1x128xf32> to vector<2048x128xf32>
    %add3A_33 = arith.addf %add3A_31, %add3A_32 : vector<2048x128xf32>
    %dot_general3A_34 = arith.constant dense<0.000000e+00> : vector<2048x128xf32>
    %dot_general3A_35 = tpu.matmul %convert_element_type3A_14, %scan3A_26, %dot_general3A_34 {dimension_numbers = #tpu.dot_dimension_numbers<[1], [1], [0], [0], [0, 0, 1, 0], [], []>, transpose_lhs_hint = false} : vector<2048x32xf32>, vector<128x32xf32>, vector<2048x128xf32> -> vector<2048x128xf32>
    %mul3A_36 = arith.constant 2.000000e+00 : f32
    %mul3A_37 = vector.broadcast %mul3A_36 : f32 to vector<2048x128xf32>
    %mul3A_38 = arith.mulf %mul3A_37, %dot_general3A_35 : vector<2048x128xf32>
    %sub3A = arith.subf %add3A_33, %mul3A_38 : vector<2048x128xf32>
    %reduce_min3A = arith.constant dense<0x7F800000> : vector<2048xf32>
    %reduce_min3A_39 = vector.multi_reduction <minimumf>, %sub3A, %reduce_min3A [1] : vector<2048x128xf32> to vector<2048xf32>
    %broadcast_in_dim3A_40 = vector.shape_cast %reduce_min3A_39 : vector<2048xf32> to vector<2048x1xf32>
    %eq3A = vector.broadcast %broadcast_in_dim3A_40 : vector<2048x1xf32> to vector<2048x128xf32>
    %eq3A_41 = arith.cmpf oeq, %sub3A, %eq3A : vector<2048x128xf32>
    %jit3A = arith.constant 128 : i32
    %broadcast_in_dim3A_42 = vector.broadcast %jit3A : i32 to vector<2048x128xi32>
    %select_n3A = arith.select %eq3A_41, %iota3A, %broadcast_in_dim3A_42 : vector<2048x128xi1>, vector<2048x128xi32>
    %reduce_min3A_43 = arith.constant dense<2147483647> : vector<2048xi32>
    %reduce_min3A_44 = vector.multi_reduction <minsi>, %select_n3A, %reduce_min3A_43 [1] : vector<2048x128xi32> to vector<2048xi32>
    %broadcast_in_dim3A_45 = vector.shape_cast %reduce_min3A_44 : vector<2048xi32> to vector<1x2048xi32>
    %eq3A_46 = vector.broadcast %broadcast_in_dim3A_45 : vector<1x2048xi32> to vector<128x2048xi32>
    %eq3A_47 = arith.cmpi eq, %iota3A_21, %eq3A_46 : vector<128x2048xi32>
    %convert_element_type3A_48 = arith.extui %eq3A_47 : vector<128x2048xi1> to vector<128x2048xi32>
    %convert_element_type3A_49 = arith.sitofp %convert_element_type3A_48 : vector<128x2048xi32> to vector<128x2048xf32>
    %dot_general3A_50 = arith.constant dense<0.000000e+00> : vector<128x1xf32>
    %dot_general3A_51 = tpu.matmul %convert_element_type3A_49, %broadcast_in_dim3A_22, %dot_general3A_50 {dimension_numbers = #tpu.dot_dimension_numbers<[1], [0], [0], [1], [0, 0, 1, 1], [], []>, transpose_lhs_hint = false} : vector<128x2048xf32>, vector<2048x1xf32>, vector<128x1xf32> -> vector<128x1xf32>
    %dot_general3A_52 = arith.constant dense<0.000000e+00> : vector<128x64xf32>
    %dot_general3A_53 = tpu.matmul %convert_element_type3A_49, %get3A_3, %dot_general3A_52 {dimension_numbers = #tpu.dot_dimension_numbers<[1], [0], [0], [1], [0, 0, 1, 1], [], []>, transpose_lhs_hint = false} : vector<128x2048xf32>, vector<2048x64xf32>, vector<128x64xf32> -> vector<128x64xf32>
    %convert_element_type3A_54 = arith.sitofp %reduce_min3A_44 : vector<2048xi32> to vector<2048xf32>
    %swap3A = arith.constant 0 : index
    %swap3A_55 = arith.constant 0 : index
    %swap3A_56 = arith.constant 0 : index
    %swap3A_57 = vector.load %arg5[%swap3A, %swap3A_55, %swap3A_56] : memref<1x1x2048xf32, #tpu.memory_space<vmem>>, vector<1x1x2048xf32>
    %swap3A_58 = vector.shape_cast %swap3A_57 : vector<1x1x2048xf32> to vector<2048xf32>
    %swap3A_59 = vector.shape_cast %convert_element_type3A_54 : vector<2048xf32> to vector<1x1x2048xf32>
    tpu.vector_store %arg5[%swap3A, %swap3A_55, %swap3A_56], %swap3A_59 {strides = array<i32>} : memref<1x1x2048xf32, #tpu.memory_space<vmem>>, vector<1x1x2048xf32>,
    %max3A = arith.constant 1.000000e+00 : f32
    %max3A_60 = vector.broadcast %max3A : f32 to vector<128x1xf32>
    %max3A_61 = arith.maximumf %dot_general3A_51, %max3A_60 : vector<128x1xf32>
    %div3A = vector.broadcast %max3A_61 : vector<128x1xf32> to vector<128x64xf32>
    %div3A_62 = arith.divf %dot_general3A_53, %div3A : vector<128x64xf32>
    %swap3A_63 = arith.constant 0 : index
    %swap3A_64 = arith.constant 0 : index
    %swap3A_65 = arith.constant 0 : index
    %swap3A_66 = vector.load %arg6[%swap3A_63, %swap3A_64, %swap3A_65] : memref<1x128x64xf32, #tpu.memory_space<vmem>>, vector<1x128x64xf32>
    %swap3A_67 = vector.shape_cast %swap3A_66 : vector<1x128x64xf32> to vector<128x64xf32>
    %swap3A_68 = vector.shape_cast %div3A_62 : vector<128x64xf32> to vector<1x128x64xf32>
    tpu.vector_store %arg6[%swap3A_63, %swap3A_64, %swap3A_65], %swap3A_68 {strides = array<i32>} : memref<1x128x64xf32, #tpu.memory_space<vmem>>, vector<1x128x64xf32>,
    return
  }
  func.func @transform_0(%arg0: i32) -> (i32, i32, i32) {
    %c0_i32 = arith.constant 0 : i32
    %c0_i32_0 = arith.constant 0 : i32
    %c0_i32_1 = arith.constant 0 : i32
    return %arg0, %c0_i32, %c0_i32_0 : i32, i32, i32
  }
  func.func @transform_1(%arg0: i32) -> (i32, i32) {
    %c0_i32 = arith.constant 0 : i32
    %c0_i32_0 = arith.constant 0 : i32
    %c0_i32_1 = arith.constant 0 : i32
    return %c0_i32, %c0_i32_0 : i32, i32
  }
  func.func @transform_2(%arg0: i32) -> (i32, i32) {
    %c0_i32 = arith.constant 0 : i32
    %c0_i32_0 = arith.constant 0 : i32
    %c0_i32_1 = arith.constant 0 : i32
    return %c0_i32, %c0_i32_0 : i32, i32
  }
  func.func @transform_3(%arg0: i32) -> (i32, i32) {
    %c0_i32 = arith.constant 0 : i32
    %c0_i32_0 = arith.constant 0 : i32
    %c0_i32_1 = arith.constant 0 : i32
    return %c0_i32, %c0_i32_0 : i32, i32
  }
  func.func @transform_4(%arg0: i32) -> (i32, i32, i32) {
    %c0_i32 = arith.constant 0 : i32
    %c0_i32_0 = arith.constant 0 : i32
    %c0_i32_1 = arith.constant 0 : i32
    return %arg0, %c0_i32, %c0_i32_0 : i32, i32, i32
  }
  func.func @transform_5(%arg0: i32) -> (i32, i32, i32) {
    %c0_i32 = arith.constant 0 : i32
    %c0_i32_0 = arith.constant 0 : i32
    %c0_i32_1 = arith.constant 0 : i32
    return %arg0, %c0_i32, %c0_i32_0 : i32, i32, i32
  }
}

module attributes {stable_mosaic.version = 14 : i64} {
  func.func @_topk_body(%arg0: i32, %arg1: memref<1x128x64xf32, #tpu.memory_space<vmem>>, %arg2: memref<1x2048x64xf32, #tpu.memory_space<vmem>>, %arg3: memref<1x2048x64xf32, #tpu.memory_space<vmem>>, %arg4: memref<1x32x128xi32, #tpu.memory_space<vmem>>, %arg5: memref<1x1x128xf32, #tpu.memory_space<vmem>>, %arg6: memref<1x128x64xf32, #tpu.memory_space<vmem>>) attributes {dimension_semantics = [#tpu.dimension_semantics<arbitrary>], iteration_bounds = array<i64: 12>, scalar_prefetch = 0 : i64, scratch_operands = 0 : i64, tpu.core_type = #tpu.core_type<tc>, window_params = [{transform_indices = @transform_0, window_bounds = array<i64: 1, 128, 64>}, {transform_indices = @transform_1, window_bounds = array<i64: 1, 2048, 64>}, {transform_indices = @transform_2, window_bounds = array<i64: 1, 2048, 64>}, {transform_indices = @transform_3, window_bounds = array<i64: 1, 32, 128>}, {transform_indices = @transform_4, window_bounds = array<i64: 1, 1, 128>}, {transform_indices = @transform_5, window_bounds = array<i64: 1, 128, 64>}]} {
    %get3A = arith.constant 0 : index
    %get3A_0 = arith.constant 0 : index
    %get3A_1 = arith.constant 0 : index
    %get3A_2 = vector.load %arg1[%get3A, %get3A_0, %get3A_1] : memref<1x128x64xf32, #tpu.memory_space<vmem>>, vector<1x128x64xf32>
    %get3A_3 = vector.shape_cast %get3A_2 : vector<1x128x64xf32> to vector<128x64xf32>
    %get3A_4 = arith.constant 0 : index
    %get3A_5 = arith.constant 0 : index
    %get3A_6 = arith.constant 0 : index
    %get3A_7 = vector.load %arg2[%get3A_4, %get3A_5, %get3A_6] : memref<1x2048x64xf32, #tpu.memory_space<vmem>>, vector<1x2048x64xf32>
    %get3A_8 = vector.shape_cast %get3A_7 : vector<1x2048x64xf32> to vector<2048x64xf32>
    %get3A_9 = arith.constant 0 : index
    %get3A_10 = arith.constant 0 : index
    %get3A_11 = arith.constant 0 : index
    %get3A_12 = vector.load %arg3[%get3A_9, %get3A_10, %get3A_11] : memref<1x2048x64xf32, #tpu.memory_space<vmem>>, vector<1x2048x64xf32>
    %get3A_13 = vector.shape_cast %get3A_12 : vector<1x2048x64xf32> to vector<2048x64xf32>
    %dot_general3A = arith.constant dense<0.000000e+00> : vector<128x2048xf32>
    %dot_general3A_14 = tpu.matmul %get3A_3, %get3A_8, %dot_general3A {dimension_numbers = #tpu.dot_dimension_numbers<[1], [1], [0], [0], [0, 0, 1, 0], [], []>, transpose_lhs_hint = false} : vector<128x64xf32>, vector<2048x64xf32>, vector<128x2048xf32> -> vector<128x2048xf32>
    %iota3A = tpu.iota {dimensions = array<i32: 1>} : vector<128x2048xi32>
    %scan3A = arith.constant 0xFF800000 : f32
    %scan3A_15 = arith.constant 0 : i32
    %scan3A_16 = arith.constant 32 : i32
    %scan3A_17 = arith.addi %scan3A_15, %scan3A_16 : i32
    %scan3A_18 = arith.constant 1 : i32
    %scan3A_19 = scf.for %scan3A_46 = %scan3A_15 to %scan3A_17 step %scan3A_18 iter_args(%scan3A_47 = %dot_general3A_14) -> (vector<128x2048xf32>)  : i32 {
      %reduce_max3A_48 = arith.constant dense<0xFF800000> : vector<128xf32>
      %reduce_max3A_49 = vector.multi_reduction <maximumf>, %scan3A_47, %reduce_max3A_48 [1] : vector<128x2048xf32> to vector<128xf32>
      %broadcast_in_dim3A_50 = vector.shape_cast %reduce_max3A_49 : vector<128xf32> to vector<128x1xf32>
      %eq3A_51 = vector.broadcast %broadcast_in_dim3A_50 : vector<128x1xf32> to vector<128x2048xf32>
      %eq3A_52 = arith.cmpf oeq, %scan3A_47, %eq3A_51 : vector<128x2048xf32>
      %jit3A_53 = arith.constant 2048 : i32
      %broadcast_in_dim3A_54 = vector.broadcast %jit3A_53 : i32 to vector<128x2048xi32>
      %select_n3A_55 = arith.select %eq3A_52, %iota3A, %broadcast_in_dim3A_54 : vector<128x2048xi1>, vector<128x2048xi32>
      %reduce_min3A = arith.constant dense<2147483647> : vector<128xi32>
      %reduce_min3A_56 = vector.multi_reduction <minsi>, %select_n3A_55, %reduce_min3A [1] : vector<128x2048xi32> to vector<128xi32>
      %mul3A_57 = arith.constant 2048 : i32
      %mul3A_58 = arith.muli %arg0, %mul3A_57 : i32
      %add3A = vector.broadcast %mul3A_58 : i32 to vector<128xi32>
      %add3A_59 = arith.addi %reduce_min3A_56, %add3A : vector<128xi32>
      %broadcast_in_dim3A_60 = vector.shape_cast %add3A_59 : vector<128xi32> to vector<1x128xi32>
      %swap3A_61 = arith.constant 0 : index
      %swap3A_62 = arith.index_cast %scan3A_46 : i32 to index
      %swap3A_63 = arith.constant 0 : index
      %swap3A_64 = vector.load %arg4[%swap3A_61, %swap3A_62, %swap3A_63] : memref<1x32x128xi32, #tpu.memory_space<vmem>>, vector<1x1x128xi32>
      %swap3A_65 = vector.shape_cast %swap3A_64 : vector<1x1x128xi32> to vector<1x128xi32>
      %swap3A_66 = vector.shape_cast %broadcast_in_dim3A_60 : vector<1x128xi32> to vector<1x1x128xi32>
      tpu.vector_store %arg4[%swap3A_61, %swap3A_62, %swap3A_63], %swap3A_66 {strides = array<i32>} : memref<1x32x128xi32, #tpu.memory_space<vmem>>, vector<1x1x128xi32>,
      %broadcast_in_dim3A_67 = vector.shape_cast %reduce_min3A_56 : vector<128xi32> to vector<128x1xi32>
      %eq3A_68 = vector.broadcast %broadcast_in_dim3A_67 : vector<128x1xi32> to vector<128x2048xi32>
      %eq3A_69 = arith.cmpi eq, %iota3A, %eq3A_68 : vector<128x2048xi32>
      %broadcast_in_dim3A_70 = vector.broadcast %scan3A : f32 to vector<128x2048xf32>
      %select_n3A_71 = arith.select %eq3A_69, %broadcast_in_dim3A_70, %scan3A_47 : vector<128x2048xi1>, vector<128x2048xf32>
      scf.yield %select_n3A_71 : vector<128x2048xf32>
    }
    %scan3A_20 = arith.constant 32 : i32
    %mul3A = arith.constant 1.250000e-01 : f32
    %mul3A_21 = vector.broadcast %mul3A : f32 to vector<128x2048xf32>
    %mul3A_22 = arith.mulf %mul3A_21, %dot_general3A_14 : vector<128x2048xf32>
    %reduce_max3A = arith.constant dense<0xFF800000> : vector<128xf32>
    %reduce_max3A_23 = vector.multi_reduction <maximumf>, %mul3A_22, %reduce_max3A [1] : vector<128x2048xf32> to vector<128xf32>
    %broadcast_in_dim3A = vector.shape_cast %reduce_max3A_23 : vector<128xf32> to vector<128x1xf32>
    %sub3A = vector.broadcast %broadcast_in_dim3A : vector<128x1xf32> to vector<128x2048xf32>
    %sub3A_24 = arith.subf %mul3A_22, %sub3A : vector<128x2048xf32>
    %exp3A = math.exp %sub3A_24 : vector<128x2048xf32>
    %reduce_sum3A = arith.constant dense<0.000000e+00> : vector<128xf32>
    %reduce_sum3A_25 = vector.multi_reduction <add>, %exp3A, %reduce_sum3A [1] : vector<128x2048xf32> to vector<128xf32>
    %broadcast_in_dim3A_26 = vector.shape_cast %reduce_sum3A_25 : vector<128xf32> to vector<128x1xf32>
    %div3A = vector.broadcast %broadcast_in_dim3A_26 : vector<128x1xf32> to vector<128x2048xf32>
    %div3A_27 = arith.divf %exp3A, %div3A : vector<128x2048xf32>
    %eq3A = arith.constant 0xFF800000 : f32
    %eq3A_28 = vector.broadcast %eq3A : f32 to vector<128x2048xf32>
    %eq3A_29 = arith.cmpf oeq, %scan3A_19, %eq3A_28 : vector<128x2048xf32>
    %jit3A = arith.constant 0.000000e+00 : f32
    %broadcast_in_dim3A_30 = vector.broadcast %jit3A : f32 to vector<128x2048xf32>
    %select_n3A = arith.select %eq3A_29, %broadcast_in_dim3A_30, %div3A_27 : vector<128x2048xi1>, vector<128x2048xf32>
    %reduce_sum3A_31 = arith.constant dense<0.000000e+00> : vector<128xf32>
    %reduce_sum3A_32 = vector.multi_reduction <add>, %select_n3A, %reduce_sum3A_31 [1] : vector<128x2048xf32> to vector<128xf32>
    %swap3A = arith.constant 0 : index
    %swap3A_33 = arith.constant 0 : index
    %swap3A_34 = arith.constant 0 : index
    %swap3A_35 = vector.load %arg5[%swap3A, %swap3A_33, %swap3A_34] : memref<1x1x128xf32, #tpu.memory_space<vmem>>, vector<1x1x128xf32>
    %swap3A_36 = vector.shape_cast %swap3A_35 : vector<1x1x128xf32> to vector<128xf32>
    %swap3A_37 = vector.shape_cast %reduce_sum3A_32 : vector<128xf32> to vector<1x1x128xf32>
    tpu.vector_store %arg5[%swap3A, %swap3A_33, %swap3A_34], %swap3A_37 {strides = array<i32>} : memref<1x1x128xf32, #tpu.memory_space<vmem>>, vector<1x1x128xf32>,
    %dot_general3A_38 = arith.constant dense<0.000000e+00> : vector<128x64xf32>
    %dot_general3A_39 = tpu.matmul %select_n3A, %get3A_13, %dot_general3A_38 {dimension_numbers = #tpu.dot_dimension_numbers<[1], [0], [0], [1], [0, 0, 1, 1], [], []>, transpose_lhs_hint = false} : vector<128x2048xf32>, vector<2048x64xf32>, vector<128x64xf32> -> vector<128x64xf32>
    %swap3A_40 = arith.constant 0 : index
    %swap3A_41 = arith.constant 0 : index
    %swap3A_42 = arith.constant 0 : index
    %swap3A_43 = vector.load %arg6[%swap3A_40, %swap3A_41, %swap3A_42] : memref<1x128x64xf32, #tpu.memory_space<vmem>>, vector<1x128x64xf32>
    %swap3A_44 = vector.shape_cast %swap3A_43 : vector<1x128x64xf32> to vector<128x64xf32>
    %swap3A_45 = vector.shape_cast %dot_general3A_39 : vector<128x64xf32> to vector<1x128x64xf32>
    tpu.vector_store %arg6[%swap3A_40, %swap3A_41, %swap3A_42], %swap3A_45 {strides = array<i32>} : memref<1x128x64xf32, #tpu.memory_space<vmem>>, vector<1x128x64xf32>,
    return
  }
  func.func @transform_0(%arg0: i32) -> (i32, i32, i32) {
    %c0_i32 = arith.constant 0 : i32
    %c0_i32_0 = arith.constant 0 : i32
    %c0_i32_1 = arith.constant 0 : i32
    return %arg0, %c0_i32, %c0_i32_0 : i32, i32, i32
  }
  func.func @transform_1(%arg0: i32) -> (i32, i32, i32) {
    %c0_i32 = arith.constant 0 : i32
    %c0_i32_0 = arith.constant 0 : i32
    %c0_i32_1 = arith.constant 0 : i32
    return %arg0, %c0_i32, %c0_i32_0 : i32, i32, i32
  }
  func.func @transform_2(%arg0: i32) -> (i32, i32, i32) {
    %c0_i32 = arith.constant 0 : i32
    %c0_i32_0 = arith.constant 0 : i32
    %c0_i32_1 = arith.constant 0 : i32
    return %arg0, %c0_i32, %c0_i32_0 : i32, i32, i32
  }
  func.func @transform_3(%arg0: i32) -> (i32, i32, i32) {
    %c0_i32 = arith.constant 0 : i32
    %c0_i32_0 = arith.constant 0 : i32
    %c0_i32_1 = arith.constant 0 : i32
    return %arg0, %c0_i32, %c0_i32_0 : i32, i32, i32
  }
  func.func @transform_4(%arg0: i32) -> (i32, i32, i32) {
    %c0_i32 = arith.constant 0 : i32
    %c0_i32_0 = arith.constant 0 : i32
    %c0_i32_1 = arith.constant 0 : i32
    return %arg0, %c0_i32, %c0_i32_0 : i32, i32, i32
  }
  func.func @transform_5(%arg0: i32) -> (i32, i32, i32) {
    %c0_i32 = arith.constant 0 : i32
    %c0_i32_0 = arith.constant 0 : i32
    %c0_i32_1 = arith.constant 0 : i32
    return %arg0, %c0_i32, %c0_i32_0 : i32, i32, i32
  }
}

module attributes {stable_mosaic.version = 14 : i64} {
  func.func @_query_body(%arg0: i32, %arg1: i32, %arg2: memref<1x2048x64xf32, #tpu.memory_space<vmem>>, %arg3: memref<1x1x2048xf32, #tpu.memory_space<vmem>>, %arg4: memref<1x128x2048xf32, #tpu.memory_space<vmem>>, %arg5: memref<1x128x2048xf32, #tpu.memory_space<vmem>>, %arg6: memref<1x1x128xf32, #tpu.memory_space<vmem>>, %arg7: memref<1x128x64xf32, #tpu.memory_space<vmem>>, %arg8: memref<1x2048x64xf32, #tpu.memory_space<vmem>>) attributes {dimension_semantics = [#tpu.dimension_semantics<arbitrary>, #tpu.dimension_semantics<arbitrary>], iteration_bounds = array<i64: 12, 1>, scalar_prefetch = 0 : i64, scratch_operands = 0 : i64, tpu.core_type = #tpu.core_type<tc>, window_params = [{transform_indices = @transform_0, window_bounds = array<i64: 1, 2048, 64>}, {transform_indices = @transform_1, window_bounds = array<i64: 1, 1, 2048>}, {transform_indices = @transform_2, window_bounds = array<i64: 1, 128, 2048>}, {transform_indices = @transform_3, window_bounds = array<i64: 1, 128, 2048>}, {transform_indices = @transform_4, window_bounds = array<i64: 1, 1, 128>}, {transform_indices = @transform_5, window_bounds = array<i64: 1, 128, 64>}, {transform_indices = @transform_6, window_bounds = array<i64: 1, 2048, 64>}]} {
    %get3A = arith.constant 0 : index
    %get3A_0 = arith.constant 0 : index
    %get3A_1 = arith.constant 0 : index
    %get3A_2 = vector.load %arg2[%get3A, %get3A_0, %get3A_1] : memref<1x2048x64xf32, #tpu.memory_space<vmem>>, vector<1x2048x64xf32>
    %get3A_3 = vector.shape_cast %get3A_2 : vector<1x2048x64xf32> to vector<2048x64xf32>
    %get3A_4 = arith.constant 0 : index
    %get3A_5 = arith.constant 0 : index
    %get3A_6 = arith.constant 0 : index
    %get3A_7 = vector.load %arg3[%get3A_4, %get3A_5, %get3A_6] : memref<1x1x2048xf32, #tpu.memory_space<vmem>>, vector<1x1x2048xf32>
    %get3A_8 = vector.shape_cast %get3A_7 : vector<1x1x2048xf32> to vector<2048xf32>
    %get3A_9 = arith.constant 0 : index
    %get3A_10 = arith.constant 0 : index
    %get3A_11 = arith.constant 0 : index
    %get3A_12 = vector.load %arg4[%get3A_9, %get3A_10, %get3A_11] : memref<1x128x2048xf32, #tpu.memory_space<vmem>>, vector<1x128x2048xf32>
    %get3A_13 = vector.shape_cast %get3A_12 : vector<1x128x2048xf32> to vector<128x2048xf32>
    %get3A_14 = arith.constant 0 : index
    %get3A_15 = arith.constant 0 : index
    %get3A_16 = arith.constant 0 : index
    %get3A_17 = vector.load %arg5[%get3A_14, %get3A_15, %get3A_16] : memref<1x128x2048xf32, #tpu.memory_space<vmem>>, vector<1x128x2048xf32>
    %get3A_18 = vector.shape_cast %get3A_17 : vector<1x128x2048xf32> to vector<128x2048xf32>
    %get3A_19 = arith.constant 0 : index
    %get3A_20 = arith.constant 0 : index
    %get3A_21 = arith.constant 0 : index
    %get3A_22 = vector.load %arg6[%get3A_19, %get3A_20, %get3A_21] : memref<1x1x128xf32, #tpu.memory_space<vmem>>, vector<1x1x128xf32>
    %get3A_23 = vector.shape_cast %get3A_22 : vector<1x1x128xf32> to vector<128xf32>
    %get3A_24 = arith.constant 0 : index
    %get3A_25 = arith.constant 0 : index
    %get3A_26 = arith.constant 0 : index
    %get3A_27 = vector.load %arg7[%get3A_24, %get3A_25, %get3A_26] : memref<1x128x64xf32, #tpu.memory_space<vmem>>, vector<1x128x64xf32>
    %get3A_28 = vector.shape_cast %get3A_27 : vector<1x128x64xf32> to vector<128x64xf32>
    %iota3A = tpu.iota {dimensions = array<i32: 1>} : vector<2048x128xi32>
    %convert_element_type3A = arith.sitofp %iota3A : vector<2048x128xi32> to vector<2048x128xf32>
    %broadcast_in_dim3A = vector.shape_cast %get3A_8 : vector<2048xf32> to vector<2048x1xf32>
    %eq3A = vector.broadcast %broadcast_in_dim3A : vector<2048x1xf32> to vector<2048x128xf32>
    %eq3A_29 = arith.cmpf oeq, %eq3A, %convert_element_type3A : vector<2048x128xf32>
    %convert_element_type3A_30 = arith.extui %eq3A_29 : vector<2048x128xi1> to vector<2048x128xi32>
    %convert_element_type3A_31 = arith.sitofp %convert_element_type3A_30 : vector<2048x128xi32> to vector<2048x128xf32>
    %iota3A_32 = tpu.iota {dimensions = array<i32: 0>} : vector<64x2048xi32>
    %iota3A_33 = tpu.iota {dimensions = array<i32: 1>} : vector<64x2048xi32>
    %jit3A = arith.constant 64 : i32
    %eq3A_34 = arith.constant 0 : i32
    %eq3A_35 = arith.cmpi eq, %jit3A, %eq3A_34 : i32
    %jit3A_36 = arith.constant 1 : i32
    %select_n3A = arith.select %eq3A_35, %jit3A_36, %jit3A : i32
    %rem3A = vector.broadcast %select_n3A : i32 to vector<64x2048xi32>
    %rem3A_37 = arith.remsi %iota3A_33, %rem3A : vector<64x2048xi32>
    %ne3A = arith.constant 0 : i32
    %ne3A_38 = vector.broadcast %ne3A : i32 to vector<64x2048xi32>
    %ne3A_39 = arith.cmpi ne, %rem3A_37, %ne3A_38 : vector<64x2048xi32>
    %lt3A = arith.constant 0 : i32
    %lt3A_40 = vector.broadcast %lt3A : i32 to vector<64x2048xi32>
    %lt3A_41 = arith.cmpi slt, %rem3A_37, %lt3A_40 : vector<64x2048xi32>
    %lt3A_42 = arith.constant 0 : i32
    %lt3A_43 = arith.cmpi slt, %select_n3A, %lt3A_42 : i32
    %ne3A_44 = vector.broadcast %lt3A_43 : i1 to vector<64x2048xi1>
    %ne3A_45 = vector.broadcast %ne3A_44 : vector<64x2048xi1> to vector<64x2048xi1>
    %ne3A_46 = arith.xori %lt3A_41, %ne3A_45 : vector<64x2048xi1>
    %and3A = arith.andi %ne3A_46, %ne3A_39 : vector<64x2048xi1>
    %add3A = vector.broadcast %select_n3A : i32 to vector<64x2048xi32>
    %add3A_47 = arith.addi %rem3A_37, %add3A : vector<64x2048xi32>
    %select_n3A_48 = arith.select %and3A, %add3A_47, %rem3A_37 : vector<64x2048xi1>, vector<64x2048xi32>
    %eq3A_49 = arith.cmpi eq, %select_n3A_48, %iota3A_32 : vector<64x2048xi32>
    %convert_element_type3A_50 = arith.extui %eq3A_49 : vector<64x2048xi1> to vector<64x2048xi32>
    %convert_element_type3A_51 = arith.sitofp %convert_element_type3A_50 : vector<64x2048xi32> to vector<64x2048xf32>
    %iota3A_52 = tpu.iota {dimensions = array<i32: 0>} : vector<2048x32xi32>
    %iota3A_53 = tpu.iota {dimensions = array<i32: 1>} : vector<2048x32xi32>
    %jit3A_54 = arith.constant 64 : i32
    %div3A = vector.broadcast %jit3A_54 : i32 to vector<2048x32xi32>
    %div3A_55 = arith.divsi %iota3A_52, %div3A : vector<2048x32xi32>
    %sign3A = arith.constant 0 : i32
    %sign3A_56 = vector.broadcast %sign3A : i32 to vector<2048x32xi32>
    %sign3A_57 = arith.cmpi sgt, %iota3A_52, %sign3A_56 : vector<2048x32xi32>
    %sign3A_58 = arith.extui %sign3A_57 : vector<2048x32xi1> to vector<2048x32xi32>
    %sign3A_59 = arith.constant 0 : i32
    %sign3A_60 = vector.broadcast %sign3A_59 : i32 to vector<2048x32xi32>
    %sign3A_61 = arith.cmpi slt, %iota3A_52, %sign3A_60 : vector<2048x32xi32>
    %sign3A_62 = arith.extui %sign3A_61 : vector<2048x32xi1> to vector<2048x32xi32>
    %sign3A_63 = arith.subi %sign3A_58, %sign3A_62 : vector<2048x32xi32>
    %sign3A_64 = arith.constant 0 : i32
    %sign3A_65 = arith.cmpi sgt, %jit3A_54, %sign3A_64 : i32
    %sign3A_66 = arith.extui %sign3A_65 : i1 to i32
    %sign3A_67 = arith.constant 0 : i32
    %sign3A_68 = arith.cmpi slt, %jit3A_54, %sign3A_67 : i32
    %sign3A_69 = arith.extui %sign3A_68 : i1 to i32
    %sign3A_70 = arith.subi %sign3A_66, %sign3A_69 : i32
    %ne3A_71 = vector.broadcast %sign3A_70 : i32 to vector<2048x32xi32>
    %ne3A_72 = arith.cmpi ne, %sign3A_63, %ne3A_71 : vector<2048x32xi32>
    %rem3A_73 = vector.broadcast %jit3A_54 : i32 to vector<2048x32xi32>
    %rem3A_74 = arith.remsi %iota3A_52, %rem3A_73 : vector<2048x32xi32>
    %ne3A_75 = arith.constant 0 : i32
    %ne3A_76 = vector.broadcast %ne3A_75 : i32 to vector<2048x32xi32>
    %ne3A_77 = arith.cmpi ne, %rem3A_74, %ne3A_76 : vector<2048x32xi32>
    %and3A_78 = arith.andi %ne3A_72, %ne3A_77 : vector<2048x32xi1>
    %sub3A = arith.constant 1 : i32
    %sub3A_79 = vector.broadcast %sub3A : i32 to vector<2048x32xi32>
    %sub3A_80 = arith.subi %div3A_55, %sub3A_79 : vector<2048x32xi32>
    %select_n3A_81 = arith.select %and3A_78, %sub3A_80, %div3A_55 : vector<2048x32xi1>, vector<2048x32xi32>
    %eq3A_82 = arith.cmpi eq, %select_n3A_81, %iota3A_53 : vector<2048x32xi32>
    %convert_element_type3A_83 = arith.extui %eq3A_82 : vector<2048x32xi1> to vector<2048x32xi32>
    %convert_element_type3A_84 = arith.sitofp %convert_element_type3A_83 : vector<2048x32xi32> to vector<2048x32xf32>
    %dot_general3A = arith.constant dense<0.000000e+00> : vector<2048x2048xf32>
    %dot_general3A_85 = tpu.matmul %convert_element_type3A_31, %get3A_13, %dot_general3A {dimension_numbers = #tpu.dot_dimension_numbers<[1], [0], [0], [1], [0, 0, 1, 1], [], []>, transpose_lhs_hint = false} : vector<2048x128xf32>, vector<128x2048xf32>, vector<2048x2048xf32> -> vector<2048x2048xf32>
    %dot_general3A_86 = arith.constant dense<0.000000e+00> : vector<2048x2048xf32>
    %dot_general3A_87 = tpu.matmul %get3A_3, %convert_element_type3A_51, %dot_general3A_86 {dimension_numbers = #tpu.dot_dimension_numbers<[1], [0], [0], [1], [0, 0, 1, 1], [], []>, transpose_lhs_hint = false} : vector<2048x64xf32>, vector<64x2048xf32>, vector<2048x2048xf32> -> vector<2048x2048xf32>
    %mul3A = arith.mulf %dot_general3A_85, %dot_general3A_87 : vector<2048x2048xf32>
    %dot_general3A_88 = arith.constant dense<0.000000e+00> : vector<2048x32xf32>
    %dot_general3A_89 = tpu.matmul %mul3A, %convert_element_type3A_84, %dot_general3A_88 {dimension_numbers = #tpu.dot_dimension_numbers<[1], [0], [0], [1], [0, 0, 1, 1], [], []>, transpose_lhs_hint = false} : vector<2048x2048xf32>, vector<2048x32xf32>, vector<2048x32xf32> -> vector<2048x32xf32>
    %mul3A_90 = arith.constant 1.250000e-01 : f32
    %mul3A_91 = vector.broadcast %mul3A_90 : f32 to vector<2048x32xf32>
    %mul3A_92 = arith.mulf %mul3A_91, %dot_general3A_89 : vector<2048x32xf32>
    %reduce_max3A = arith.constant dense<0xFF800000> : vector<2048xf32>
    %reduce_max3A_93 = vector.multi_reduction <maximumf>, %mul3A_92, %reduce_max3A [1] : vector<2048x32xf32> to vector<2048xf32>
    %broadcast_in_dim3A_94 = vector.shape_cast %reduce_max3A_93 : vector<2048xf32> to vector<2048x1xf32>
    %sub3A_95 = vector.broadcast %broadcast_in_dim3A_94 : vector<2048x1xf32> to vector<2048x32xf32>
    %sub3A_96 = arith.subf %mul3A_92, %sub3A_95 : vector<2048x32xf32>
    %exp3A = math.exp %sub3A_96 : vector<2048x32xf32>
    %reduce_sum3A = arith.constant dense<0.000000e+00> : vector<2048xf32>
    %reduce_sum3A_97 = vector.multi_reduction <add>, %exp3A, %reduce_sum3A [1] : vector<2048x32xf32> to vector<2048xf32>
    %broadcast_in_dim3A_98 = vector.shape_cast %reduce_sum3A_97 : vector<2048xf32> to vector<2048x1xf32>
    %div3A_99 = vector.broadcast %broadcast_in_dim3A_98 : vector<2048x1xf32> to vector<2048x32xf32>
    %div3A_100 = arith.divf %exp3A, %div3A_99 : vector<2048x32xf32>
    %broadcast_in_dim3A_101 = vector.shape_cast %get3A_23 : vector<128xf32> to vector<1x128xf32>
    %mul3A_102 = vector.broadcast %broadcast_in_dim3A_101 : vector<1x128xf32> to vector<2048x128xf32>
    %mul3A_103 = arith.mulf %convert_element_type3A_31, %mul3A_102 : vector<2048x128xf32>
    %reduce_sum3A_104 = arith.constant dense<0.000000e+00> : vector<2048xf32>
    %reduce_sum3A_105 = vector.multi_reduction <add>, %mul3A_103, %reduce_sum3A_104 [1] : vector<2048x128xf32> to vector<2048xf32>
    %sub3A_106 = arith.constant 1.000000e+00 : f32
    %sub3A_107 = vector.broadcast %sub3A_106 : f32 to vector<2048xf32>
    %sub3A_108 = arith.subf %sub3A_107, %reduce_sum3A_105 : vector<2048xf32>
    %broadcast_in_dim3A_109 = vector.shape_cast %sub3A_108 : vector<2048xf32> to vector<2048x1xf32>
    %mul3A_110 = vector.broadcast %broadcast_in_dim3A_109 : vector<2048x1xf32> to vector<2048x32xf32>
    %mul3A_111 = arith.mulf %div3A_100, %mul3A_110 : vector<2048x32xf32>
    %dot_general3A_112 = arith.constant dense<0.000000e+00> : vector<2048x2048xf32>
    %dot_general3A_113 = tpu.matmul %convert_element_type3A_31, %get3A_18, %dot_general3A_112 {dimension_numbers = #tpu.dot_dimension_numbers<[1], [0], [0], [1], [0, 0, 1, 1], [], []>, transpose_lhs_hint = false} : vector<2048x128xf32>, vector<128x2048xf32>, vector<2048x2048xf32> -> vector<2048x2048xf32>
    %dot_general3A_114 = arith.constant dense<0.000000e+00> : vector<2048x2048xf32>
    %dot_general3A_115 = tpu.matmul %mul3A_111, %convert_element_type3A_84, %dot_general3A_114 {dimension_numbers = #tpu.dot_dimension_numbers<[1], [1], [0], [0], [0, 0, 1, 0], [], []>, transpose_lhs_hint = false} : vector<2048x32xf32>, vector<2048x32xf32>, vector<2048x2048xf32> -> vector<2048x2048xf32>
    %mul3A_116 = arith.mulf %dot_general3A_113, %dot_general3A_115 : vector<2048x2048xf32>
    %dot_general3A_117 = arith.constant dense<0.000000e+00> : vector<2048x64xf32>
    %dot_general3A_118 = tpu.matmul %mul3A_116, %convert_element_type3A_51, %dot_general3A_117 {dimension_numbers = #tpu.dot_dimension_numbers<[1], [1], [0], [0], [0, 0, 1, 0], [], []>, transpose_lhs_hint = false} : vector<2048x2048xf32>, vector<64x2048xf32>, vector<2048x64xf32> -> vector<2048x64xf32>
    %dot_general3A_119 = arith.constant dense<0.000000e+00> : vector<2048x64xf32>
    %dot_general3A_120 = tpu.matmul %convert_element_type3A_31, %get3A_28, %dot_general3A_119 {dimension_numbers = #tpu.dot_dimension_numbers<[1], [0], [0], [1], [0, 0, 1, 1], [], []>, transpose_lhs_hint = false} : vector<2048x128xf32>, vector<128x64xf32>, vector<2048x64xf32> -> vector<2048x64xf32>
    %add3A_121 = arith.addf %dot_general3A_118, %dot_general3A_120 : vector<2048x64xf32>
    %swap3A = arith.constant 0 : index
    %swap3A_122 = arith.constant 0 : index
    %swap3A_123 = arith.constant 0 : index
    %swap3A_124 = vector.load %arg8[%swap3A, %swap3A_122, %swap3A_123] : memref<1x2048x64xf32, #tpu.memory_space<vmem>>, vector<1x2048x64xf32>
    %swap3A_125 = vector.shape_cast %swap3A_124 : vector<1x2048x64xf32> to vector<2048x64xf32>
    %swap3A_126 = vector.shape_cast %add3A_121 : vector<2048x64xf32> to vector<1x2048x64xf32>
    tpu.vector_store %arg8[%swap3A, %swap3A_122, %swap3A_123], %swap3A_126 {strides = array<i32>} : memref<1x2048x64xf32, #tpu.memory_space<vmem>>, vector<1x2048x64xf32>,
    return
  }
  func.func @transform_0(%arg0: i32, %arg1: i32) -> (i32, i32, i32) {
    %c0_i32 = arith.constant 0 : i32
    %c0_i32_0 = arith.constant 0 : i32
    return %arg0, %arg1, %c0_i32 : i32, i32, i32
  }
  func.func @transform_1(%arg0: i32, %arg1: i32) -> (i32, i32, i32) {
    %c0_i32 = arith.constant 0 : i32
    %c0_i32_0 = arith.constant 0 : i32
    return %arg0, %c0_i32, %arg1 : i32, i32, i32
  }
  func.func @transform_2(%arg0: i32, %arg1: i32) -> (i32, i32, i32) {
    %c0_i32 = arith.constant 0 : i32
    %c0_i32_0 = arith.constant 0 : i32
    %c0_i32_1 = arith.constant 0 : i32
    return %arg0, %c0_i32, %c0_i32_0 : i32, i32, i32
  }
  func.func @transform_3(%arg0: i32, %arg1: i32) -> (i32, i32, i32) {
    %c0_i32 = arith.constant 0 : i32
    %c0_i32_0 = arith.constant 0 : i32
    %c0_i32_1 = arith.constant 0 : i32
    return %arg0, %c0_i32, %c0_i32_0 : i32, i32, i32
  }
  func.func @transform_4(%arg0: i32, %arg1: i32) -> (i32, i32, i32) {
    %c0_i32 = arith.constant 0 : i32
    %c0_i32_0 = arith.constant 0 : i32
    %c0_i32_1 = arith.constant 0 : i32
    return %arg0, %c0_i32, %c0_i32_0 : i32, i32, i32
  }
  func.func @transform_5(%arg0: i32, %arg1: i32) -> (i32, i32, i32) {
    %c0_i32 = arith.constant 0 : i32
    %c0_i32_0 = arith.constant 0 : i32
    %c0_i32_1 = arith.constant 0 : i32
    return %arg0, %c0_i32, %c0_i32_0 : i32, i32, i32
  }
  func.func @transform_6(%arg0: i32, %arg1: i32) -> (i32, i32, i32) {
    %c0_i32 = arith.constant 0 : i32
    %c0_i32_0 = arith.constant 0 : i32
    return %arg0, %arg1, %c0_i32 : i32, i32, i32
  }
}

</mosaic_0001>

<sc_bundles>
// kernel: kernel.6.cloned.1.call-start
scs
__scs_entry_jumppad:
0x0: {  	(pc) =	sbr.rel $0x88, $3  }
0x1: {  	(tag) =	ssettag $0x0;
	lr =	simm.s32 $0x1  }
0x2: {  	[smem:$0x3F9D] =	sst lr;
	_ =	strace $0xD0000000  }
0x3: {  	_ = 	snop  }
0x4: {  	_ = 	snop  }
0x5: {  	_ = 	snop  }
0x6: {  	_ = 	snop  }
0x7: {  	_ = 	snop  }
__scs_overlays_trampoline_lowered:
0x8: {  	[smem:$0x3FAC] =	sst s0  }
0x9: {  	[smem:$0x3FAD] =	sst s1  }
0xa: {  	[smem:$0x3FAE] =	sst s2  }
0xb: {  	[smem:$0x3FAF] =	sst s3  }
0xc: {  	[smem:$0x3FB0] =	sst s4  }
0xd: {  	[smem:$0x3FB1] =	sst s5  }
0xe: {  	[smem:$0x3FB2] =	sst s6  }
0xf: {  	[smem:$0x3FB3] =	sst s7  }
0x10: {  	[smem:$0x3FB4] =	sst s8  }
0x11: {  	[smem:$0x3FB5] =	sst s9;
	s0 =	simm.s32 @!p0 $0x0  }
0x12: {  	s1 =	sld [smem:$0x3F9B];
	s0 =	simm.s32 @p0 $0x1  }
0x13: {  	[smem:$0x3FB6] =	sst s0;
	s0 =	simm.s32 @!p1 $0x0  }
0x14: {  	s2 =	sld [smem:$0x3F9A];
	s0 =	simm.s32 @p1 $0x1  }
0x15: {  	[smem:$0x3FB7] =	sst s0;
	s0 =	simm.s32 @!p2 $0x0  }
0x16: {  	s3 =	sld [smem:$0x3FDB];
	s0 =	simm.s32 @p2 $0x1  }
0x17: {  	s4 =	simm.s32 $0x1BF5;
	[smem:$0x3FB9] =	sst s0  }
0x18: {  	s0 =	sld [smem:$0x3F9C];
	_ =	swait.ge [sflag:s4], $0x0  }
0x19: {  	s7 =	sld [smem:$0x3F9D]  }
0x1a: {  	s8 =	sadd.s32 $0xFFFFE003, lr  }
0x1b: {  	s9 =	sadd.s32 $0xFFFFFEF7, lr;
	s5 =	simm.s32 $0xFFFFFFFF;
	p2 =	slt.u32 s8, $0xFFFFF086  }
0x1c: {  	p1 =	slt.u32 s9, $0xF7A;
	s5 =	simm.s32 @!p2 $0x0  }
0x1d: {  	s5 =	simm.s32 @p1 $0x1;
	p0 =	seq.s32 s7, s2  }
0x1e: {  	s7 =	smul.u32 @!p0 $0xF7A, s2;
	p2 =	seq.s32 @!p0 s5, $0x0  }
0x1f: {  	s9 =	smul.u32 $0xF7A, s1;
	s8 =	simm.s32 @!p0 $0x1BF5;
	p2 =	por !p2, p0  }
0x20: {  	[sflag:s8] =	ssyncset.s32 @!p0 $0xFFFFF086;
	s6 =	sadd.s32 @!p0 s3, s7;
	s7 =	simm.s32 @!p0 $0x108  }
0x21: {  	s3 =	sadd.s32 s3, s9;
	s6 =	sadd.s32 @!p0 $0x88, s6;
	s7 =	simm.s32 @p2 $0x1082  }
0x22: {  	[simem:s7], [sflag:s8] =	dma.local @!p0 [hbm:s6], $0xF7A  }
0x23: {  	s9 =	sor.u32 $0xD0000000, s2;
	s6 =	simm.s32 $0x108;
	_ =	swait.ge @!p0 [sflag:s8], $0x0  }
0x24: {  	s3 =	sadd.s32 $0x88, s3;
	s6 =	simm.s32 @!p1 $0x1082;
	[sflag:s4] =	ssyncset.s32 $0xFFFFF086  }
0x25: {  	[simem:s6], [sflag:s4] =	dma.local [hbm:s3], $0xF7A  }
0x26: {  	[smem:$0x3F9D] =	sst s1;
	(tag) =	ssettag s2;
	_ =	strace s9  }
0x27: {  	s1 =	sld [smem:$0x3FAD]  }
0x28: {  	s2 =	sld [smem:$0x3FAE]  }
0x29: {  	s4 =	sld [smem:$0x3FB0]  }
0x2a: {  	p0 =	seq.s32 s5, $0x0;
	s5 =	sld [smem:$0x3FB1]  }
0x2b: {  	s6 =	sld [smem:$0x3FB2]  }
0x2c: {  	s7 =	sld [smem:$0x3FB3]  }
0x2d: {  	s3 =	simm.s32 $0x108;
	s8 =	sld [smem:$0x3FB4]  }
0x2e: {  	s3 =	simm.s32 @!p0 $0x1082;
	s9 =	sld [smem:$0x3FB5]  }
0x2f: {  	lr =	sadd.s32 s0, s3;
	s0 =	sld [smem:$0x3FAC]  }
0x30: {  	s3 =	sld [smem:$0x3FAF]  }
0x31: {  	[smem:$0x3FB8] =	sst s10  }
0x32: {  	s10 =	sld [smem:$0x3FB6];
	_ =	sdelay $0x3  }
0x33: {  	p0 =	seq.s32 s10, $0x1;
	s10 =	sld [smem:$0x3FB8];
	_ =	sdelay $0x3  }
0x34: {  	[smem:$0x3FB8] =	sst s10  }
0x35: {  	s10 =	sld [smem:$0x3FB7];
	_ =	sdelay $0x3  }
0x36: {  	p1 =	seq.s32 s10, $0x1;
	s10 =	sld [smem:$0x3FB8];
	_ =	sdelay $0x3  }
0x37: {  	[smem:$0x3FB8] =	sst s10  }
0x38: {  	s10 =	sld [smem:$0x3FB9]  }
0x39: {  	_ = 	snop;
	(pc) =	sbr.ind lr, $3  }
0x3a: {  	_ = 	snop  }
0x3b: {  	_ = 	snop  }
0x3c: {  	p2 =	seq.s32 s10, $0x1;
	s10 =	sld [smem:$0x3FB8]  }
0x3d: {  	_ =	shalt  }
0x3e: {  	_ =	shalt  }
0x3f: {  	_ =	shalt  }
0x40: {  	_ =	shalt  }
0x41: {  	_ =	shalt  }
0x42: {  	_ =	shalt  }
0x43: {  	_ =	shalt  }
0x44: {  	_ =	shalt  }
0x45: {  	_ =	shalt  }
0x46: {  	_ =	shalt  }
0x47: {  	_ =	shalt  }
0x48: {  	_ =	shalt  }
0x49: {  	_ =	shalt  }
0x4a: {  	_ =	shalt  }
0x4b: {  	_ =	shalt  }
0x4c: {  	_ =	shalt  }
0x4d: {  	_ =	shalt  }
0x4e: {  	_ =	shalt  }
0x4f: {  	_ =	shalt  }
0x50: {  	_ =	shalt  }
0x51: {  	_ =	shalt  }
0x52: {  	_ =	shalt  }
0x53: {  	_ =	shalt  }
0x54: {  	_ =	shalt  }
0x55: {  	_ =	shalt  }
0x56: {  	_ =	shalt  }
0x57: {  	_ =	shalt  }
0x58: {  	_ =	shalt  }
0x59: {  	_ =	shalt  }
0x5a: {  	_ =	shalt  }
0x5b: {  	_ =	shalt  }
0x5c: {  	_ =	shalt  }
0x5d: {  	_ =	shalt  }
0x5e: {  	_ =	shalt  }
0x5f: {  	_ =	shalt  }
0x60: {  	_ =	shalt  }
0x61: {  	_ =	shalt  }
0x62: {  	_ =	shalt  }
0x63: {  	_ =	shalt  }
0x64: {  	_ =	shalt  }
0x65: {  	_ =	shalt  }
0x66: {  	_ =	shalt  }
0x67: {  	_ =	shalt  }
0x68: {  	_ =	shalt  }
0x69: {  	_ =	shalt  }
0x6a: {  	_ =	shalt  }
0x6b: {  	_ =	shalt  }
0x6c: {  	_ =	shalt  }
0x6d: {  	_ =	shalt  }
0x6e: {  	_ =	shalt  }
0x6f: {  	_ =	shalt  }
0x70: {  	_ =	shalt  }
0x71: {  	_ =	shalt  }
0x72: {  	_ =	shalt  }
0x73: {  	_ =	shalt  }
0x74: {  	_ =	shalt  }
0x75: {  	_ =	shalt  }
0x76: {  	_ =	shalt  }
0x77: {  	_ =	shalt  }
0x78: {  	_ =	shalt  }
0x79: {  	_ =	shalt  }
0x7a: {  	_ =	shalt  }
0x7b: {  	_ =	shalt  }
0x7c: {  	_ =	shalt  }
0x7d: {  	_ =	shalt  }
0x7e: {  	_ =	shalt  }
0x7f: {  	_ =	shalt  }
0x80: {  	_ =	shalt  }
0x81: {  	_ =	shalt  }
0x82: {  	_ =	shalt  }
0x83: {  	_ =	shalt  }
0x84: {  	_ =	shalt  }
0x85: {  	_ =	shalt  }
0x86: {  	_ =	shalt  }
0x87: {  	_ =	shalt  }
.Lfunc_end0:
.L_simem_size_0:
called_computation_lowered:
.L_overlay_start_0:
0x88: {  	s2 =	sld [smem:$0x3FD9]  }
0x89: {  	s3 =	sld [smem:$0x3FFE];
	_ =	sdelay $0x1  }
0x8a: {  	s1 =	srdreg.scid  }
0x8b: {  	s0 =	sand.u32 $0x1, s1  }
0x8c: {  	s17 =	sshll.u32 s0, $0xA;
	s2 =	sadd.s32 s3, s2  }
0x8d: {  	s2 =	sadd.s32 s2, s17  }
0x8e: {  	[smem:$0x3FC4] =	sst s2  }
0x8f: {  	_ = 	snop  }
0x90: {  	s2 =	sld [smem:$0x3FD0];
	(tm) =	ssettm $0x1  }
0x91: {  	s18 =	sld [smem:$0x3FFB];
	_ =	sdelay $0x3  }
0x92: {  	_ =	strace s18  }
0x93: {  	s3 =	sld [smem:$0x3FFC];
	_ =	sdelay $0x3  }
0x94: {  	_ =	strace s3  }
0x95: {  	s3 =	sld [smem:$0x3FFD];
	_ =	sdelay $0x3  }
0x96: {  	_ =	strace s3  }
0x97: {  	_ =	strace $0x8FFFFFFF  }
0x98: {  	s19 =	sld [smem:$0x3FDB];
	_ =	sdelay $0x1  }
0x99: {  	s4 =	simm.s32 $_scs_section_size  }
0x9a: {  	s5 =	simm.s32 $_size__tile_overlayer_lowered;
	s6 =	simm.s32 $_tile_overlayer_lowered  }
0x9b: {  	s22 =	simm.s32 $0x1BFF;
	s21 =	sshll.u32 s6, $0x1;
	s3 =	sadd.s32 s4, s19  }
0x9c: {  	s7 =	simm.s32 $0x0;
	s20 =	sshll.u32 s5, $0x1;
	s5 =	sadd.s32 s21, s3  }
0x9d: {  	[timem:s7], [sflag:s22] =	dma.local [hbm:s5], s20  }
0x9e: {  	_ =	swait.ge [sflag:s22], s20  }
0x9f: {  	s4 =	ssub.s32 $0x0, s20;
	[sflag:s22] =	ssyncset.done $0x0  }
0xa0: {  	[sflag:s22] =	ssyncadd.s32 s4;
	_ =	sdelay $0x1  }
0xa1: {  	s23 =	simm.s32 $0x1B8B  }
0xa2: {  	_ =	swait.ge [sflag:s23], $0x1  }
0xa3: {  	[sflag:s23] =	ssyncset.done $0x0  }
0xa4: {  	s25 =	simm.s32 $0x1B8E;
	s24 =	sld [smem:$0x3FFE];
	[sflag:s23] =	ssyncadd.s32 $0xFFFFFFFF  }
0xa5: {  	s26 =	simm.s32 $execute0_lowered;
	[smem:$0x3FD2] =	sst s25  }
0xa6: {  	s5 =	sshll.u32 s26, $0x1;
	_ =	strace $0x80000046;
	[dreg:$0x1] =	wrdreg $0xFFFFFFFF  }
0xa7: {  	s28 =	simm.s32 $_size_execute0_lowered;
	s3 =	sadd.s32 s3, s5;
	[dreg:$0x0] =	wrdreg $0x0  }
0xa8: {  	s5 =	sshll.u32 s28, $0x1;
	[dreg:$0x2] =	wrdreg s3  }
0xa9: {  	[dreg:$0x3] =	wrdreg s5  }
0xaa: {  	[dreg:$0x4] =	wrdreg $0xC0  }
0xab: {  	_ =	task [dreg:s7], $0x5FFFF  }
0xac: {  	[dreg:$0x1] =	wrdreg $0xFFFFFFFF  }
0xad: {  	[dreg:$0x0] =	wrdreg $0x60  }
0xae: {  	[dreg:$0x2] =	wrdreg s24  }
0xaf: {  	[dreg:$0x3] =	wrdreg s2  }
0xb0: {  	[dreg:$0x4] =	wrdreg $0x9  }
0xb1: {  	_ =	task.clear_ibuf [dreg:s7], $0x5FFFF;
	_ =	strace $0x90000046  }
0xb2: {  	s29 =	simm.s32 $0x9;
	_ =	strace $0x80000048  }
0xb3: {  	_ =	swait.ge [sflag:s29], $0x1  }
0xb4: {  	[sflag:s29] =	ssyncadd.s32 $0xFFFFFFFF  }
0xb5: {  	_ =	strace $0x90000048  }
0xb6: {  	_ =	sfence  }
0xb7: {  	s30 =	sld [smem:$0x0];
	_ =	sdelay $0x2  }
0xb8: {  	s31 =	sshll.u32 s1, $0xD;
	s1 =	sshrl.u32 s1, $0x2  }
0xb9: {  	s3 =	sand.u32 $0x4000, s31;
	s1 =	sadd.s32 s1, s30  }
0xba: {  	s0 =	sor.u32 s3, s0;
	s1 =	sshll.u32 s1, $0x11  }
0xbb: {  	s0 =	sor.u32 s1, s0  }
0xbc: {  	s0 =	sadd.s32 $0x8F2B, s0  }
0xbd: {  	[sflag:s0] =	ssyncadd.remote.s32 $0x1  }
0xbe: {  	_ =	sfence.sel $0xFFFF  }
0xbf: {  	[dreg:$0x0] =	wrdreg $0xFFFFFFFF;
	(pc) =	sbr.abs _section_cstart, $3  }
0xc0: {  	[dreg:$0x1] =	wrdreg $0xFFFFFFFF  }
0xc1: {  	_ =	task.clear_ibuf [dreg:s7], $0x2FFFF;
	_ =	strace $0x9FFFFFFF  }
0xc2: {  	(tm) =	ssettm $0x7FFFFFFF  }
0xc3: {  	_ =	shalt  }
tec
execute0_lowered:
.L_overlay_start_1:
0x0: {  	(tag) =	ssettag $0x1  }
0x1: {  	s1 =	srdreg.scid;
	s0 =	stileid.u32  }
0x2: {  	s10 =	sand.u32 $0x1, s1;
	s28 =	sshll.u32 s0, $0x1  }
0x3: {  	s8 =	rddreg [dreg:$0x0];
	s9 =	sor.u32 s10, s28  }
0x4: {  	s11 =	rddreg [dreg:$0x1];
	s12 =	smul.u32 $0x600, s9  }
0x5: {  	s2 =	simm.s32 $0x0;
	s1 =	rddreg [dreg:$0x2]  }
0x6: {  	[smem:$0x7FF] =	sst s2;
	s3 =	sshrl.u32 s12, $0x3  }
0x7: {  	_ =	strace $0x80000047;
	s4 =	sadd.s32 s11, s3;
	s3 =	simm.s32 $0x2  }
0x8: {  	[tilespmem:s2], [sflag:$0x2] =	stream.linear.gather [hbm4b:s4+s2], $0x300, $0x38;
	[tilespmem:$0x18300] =	vst v63  }
0x9: {  	_ =	swait.ge [sflag:s3], $0x300  }
0xa: {  	s6 =	simm.s32 $0x300;
	[sflag:s3] =	ssyncset.done $0x0  }
0xb: {  	s7 =	simm.s32 $0x1;
	s5 =	sadd.s32 $0x1A00, s8;
	[sflag:s3] =	ssyncadd.s32 $0xFFFFFD00  }
0xc: {  	[tilespmem:s6], [sflag:$0x1] =	stream.indirect.gather [hbm4b:s5+s6], $0x80, s2, s6, $0xb8;
	[tilespmem:$0x18300] =	vst v63  }
0xd: {  	s9 =	smul.u32 $0x6000, s9;
	_ =	swait.ge [sflag:s7], $0x18000  }
0xe: {  	s13 =	sadd.s32 $0x121A00, s8;
	[sflag:s7] =	ssyncset.done $0x0  }
0xf: {  	s8 =	sadd.s32 s13, s9;
	[sflag:s7] =	ssyncadd.s32 $0xFFFE8000  }
0x10: {  	[hbm4b:s8+s2] =	stream.linear.scatter [tilespmem:s6], [sflag:$0x2], $0x18000, $0x38;
	[tilespmem:$0x18300] =	vst v63  }
0x11: {  	s12 =	sadd.s32 $0x300, s12;
	_ =	swait.ge [sflag:s3], $0x18000  }
0x12: {  	s29 =	sshrl.u32 s12, $0x3;
	[sflag:s3] =	ssyncset.done $0x0  }
0x13: {  	s10 =	ssub.s32 $0x2, s10;
	s9 =	sadd.s32 s11, s29;
	[sflag:s3] =	ssyncadd.s32 $0xFFFE8000  }
0x14: {  	[tilespmem:s2], [sflag:$0x2] =	stream.linear.gather [hbm4b:s9+s2], $0x300, $0x38;
	[tilespmem:$0x18300] =	vst v63  }
0x15: {  	s30 =	sshrl.u32 s10, $0x1;
	_ =	swait.ge [sflag:s3], $0x300  }
0x16: {  	s11 =	ssub.s32 s10, s30;
	[sflag:s3] =	ssyncset.done $0x0  }
0x17: {  	s11 =	smax.u32 s11, $0x1;
	[sflag:s3] =	ssyncadd.s32 $0xFFFFFD00  }
0x18: {  	[tilespmem:s6], [sflag:$0x1] =	stream.indirect.gather [hbm4b:s5+s6], $0x80, s2, s6, $0xb8;
	[tilespmem:$0x18300] =	vst v63  }
0x19: {  	p0 =	sne.s32 s11, $0x1;
	_ =	swait.ge [sflag:s7], $0x18000  }
.Ltmp0:
0x1a: {  	s31 =	sshll.u32 s12, $0x4;
	[sflag:s7] =	ssyncset.done $0x0;
	(pc) =	sbr.rel @!p0 .LBB2_2-.Ltmp0, $4  }
0x1b: {  	s10 =	sadd.s32 s13, s31;
	[sflag:s7] =	ssyncadd.s32 $0xFFFE8000  }
0x1c: {  	[hbm4b:s10+s2] =	stream.linear.scatter [tilespmem:s6], [sflag:$0x2], $0x18000, $0x38;
	[tilespmem:$0x18300] =	vst v63  }
0x1d: {  	_ =	swait.ge [sflag:s3], $0x18000  }
0x1e: {  	s11 =	sadd.s32 $0xFFFFFFFF, s11;
	[sflag:s3] =	ssyncset.done $0x0  }
.LBB2_1:
0x1f: {  	p0 =	sne.s32 s11, $0x1;
	s11 =	sadd.s32 $0xFFFFFFFF, s11;
	[sflag:s3] =	ssyncadd.s32 $0xFFFE8000  }
0x20: {  	[tilespmem:s2], [sflag:$0x2] =	stream.linear.gather [hbm4b:s4+s2], $0x300, $0x38;
	[tilespmem:$0x18300] =	vst v63  }
0x21: {  	_ =	swait.ge [sflag:s3], $0x300  }
0x22: {  	[sflag:s3] =	ssyncset.done $0x0  }
0x23: {  	[sflag:s3] =	ssyncadd.s32 $0xFFFFFD00  }
0x24: {  	[tilespmem:s6], [sflag:$0x1] =	stream.indirect.gather [hbm4b:s5+s6], $0x80, s2, s6, $0xb8;
	[tilespmem:$0x18300] =	vst v63  }
0x25: {  	_ =	swait.ge [sflag:s7], $0x18000  }
0x26: {  	[sflag:s7] =	ssyncset.done $0x0  }
0x27: {  	[sflag:s7] =	ssyncadd.s32 $0xFFFE8000  }
0x28: {  	[hbm4b:s8+s2] =	stream.linear.scatter [tilespmem:s6], [sflag:$0x2], $0x18000, $0x38;
	[tilespmem:$0x18300] =	vst v63  }
0x29: {  	_ =	swait.ge [sflag:s3], $0x18000  }
0x2a: {  	[sflag:s3] =	ssyncset.done $0x0  }
0x2b: {  	[sflag:s3] =	ssyncadd.s32 $0xFFFE8000  }
0x2c: {  	[tilespmem:s2], [sflag:$0x2] =	stream.linear.gather [hbm4b:s9+s2], $0x300, $0x38;
	[tilespmem:$0x18300] =	vst v63  }
0x2d: {  	_ =	swait.ge [sflag:s3], $0x300  }
0x2e: {  	[sflag:s3] =	ssyncset.done $0x0  }
0x2f: {  	[sflag:s3] =	ssyncadd.s32 $0xFFFFFD00  }
0x30: {  	[tilespmem:s6], [sflag:$0x1] =	stream.indirect.gather [hbm4b:s5+s6], $0x80, s2, s6, $0xb8;
	[tilespmem:$0x18300] =	vst v63  }
0x31: {  	_ =	swait.ge [sflag:s7], $0x18000  }
.Ltmp1:
0x32: {  	[sflag:s7] =	ssyncset.done $0x0;
	(pc) =	sbr.rel @p0 .LBB2_1-.Ltmp1, $4  }
0x33: {  	[sflag:s7] =	ssyncadd.s32 $0xFFFE8000  }
0x34: {  	[hbm4b:s10+s2] =	stream.linear.scatter [tilespmem:s6], [sflag:$0x2], $0x18000, $0x38;
	[tilespmem:$0x18300] =	vst v63  }
0x35: {  	_ =	swait.ge [sflag:s3], $0x18000  }
0x36: {  	[sflag:s3] =	ssyncset.done $0x0  }
.LBB2_2:
0x37: {  	[sflag:s3] =	ssyncadd.s32 $0xFFFE8000  }
0x38: {  	_ =	sfence.sel $0x180000  }
0x39: {  	[bflag:$0x0] =	sbarrier.arrive $0xFFFF  }
0x3a: {  	p0 =	sne.s32 s0, $0x0;
	_ =	strace $0x90000047  }
0x3b: {  	s0 =	sadd.s32 @!p0 $0x100000, s1;
	[bflag:$0x2] =	sbarrier.arrive $0xFFFF  }
0x3c: {  	[sflag:s0] =	ssyncadd.tile.s32 @!p0 $0x1;
	_ =	shalt  }
.Lfunc_end2:
_tile_overlayer_lowered:
.L_overlay_start_2:
0x3d: {  	(tag) =	ssettag $0x2  }
0x3e: {  	s0 =	rddreg [dreg:$0x0];
	s2 =	stileid.u32  }
0x3f: {  	s1 =	rddreg [dreg:$0x1];
	p0 =	sne.s32 s2, $0x0  }
0x40: {  	s3 =	rddreg [dreg:$0x2];
	[bflag:$0x3] =	sbarrier.arrive $0xFFFF;
	s2 =	simm.s32 @!p0 $0x1C02  }
0x41: {  	[timem:s3], [sflag:s2] =	dma.local @!p0 [hbm:s0], s1  }
0x42: {  	s0 =	simm.s32 @!p0 $0x2  }
0x43: {  	_ =	swait.ge @!p0 [sflag:s0], s1  }
0x44: {  	s1 =	ssub.s32 @!p0 $0x0, s1;
	[sflag:s0] =	ssyncset.done @!p0 $0x0  }
0x45: {  	[sflag:s0] =	ssyncadd.s32 @!p0 s1  }
0x46: {  	[bflag:$0x3] =	sbarrier.arrive $0xFFFF  }
0x47: {  	_ =	shalt  }

</sc_bundles>
